<compile_context>
chip_gen: v7x
topology: tpu7x:2x2x1
jax: 0.10.2.dev20260603
libtpu: 0.0.44.dev20260713+nightly
codegen_flags: <defaults>
</compile_context>

<pallas_src>
import functools

import jax
import jax.numpy as jnp
from jax import lax
from jax.experimental import pallas as pl
from jax.experimental.pallas import tpu as pltpu
from jax.experimental.pallas import tpu_sc as plsc

_N = 100000
_NUM_SEG = 100
_W = 0.0001
_NW = 32
_CHUNK = 3136
_SEGP = 128
_LSTRIDE = 129
_ITERS = _CHUNK // 16


def _sc_body(pv_hbm, v_hbm, m_hbm, b_hbm, out_hbm,
             p0, p1, p2, v0, v1, v2, mv, bv, a0, a1, a2, r0, r1, r2, sem):
    wid = lax.axis_index("s") * 2 + lax.axis_index("c")
    lstart = wid * _CHUNK
    base = jnp.minimum(lstart, _N - _CHUNK)

    cps = [
        pltpu.async_copy(pv_hbm.at[pl.ds(0 * _N + base, _CHUNK)], p0, sem),
        pltpu.async_copy(pv_hbm.at[pl.ds(1 * _N + base, _CHUNK)], p1, sem),
        pltpu.async_copy(pv_hbm.at[pl.ds(2 * _N + base, _CHUNK)], p2, sem),
        pltpu.async_copy(v_hbm.at[pl.ds(0 * _N + base, _CHUNK)], v0, sem),
        pltpu.async_copy(v_hbm.at[pl.ds(1 * _N + base, _CHUNK)], v1, sem),
        pltpu.async_copy(v_hbm.at[pl.ds(2 * _N + base, _CHUNK)], v2, sem),
        pltpu.async_copy(m_hbm.at[pl.ds(base, _CHUNK)], mv, sem),
        pltpu.async_copy(b_hbm.at[pl.ds(base, _CHUNK)], bv, sem),
    ]

    zeros = jnp.zeros((16,), jnp.float32)

    def zero_body(i, carry):
        a0[pl.ds(i * 16, 16)] = zeros
        a1[pl.ds(i * 16, 16)] = zeros
        a2[pl.ds(i * 16, 16)] = zeros
        return carry

    lax.fori_loop(0, 16 * _LSTRIDE // 16, zero_body, 0)

    lane_off = lax.broadcasted_iota(jnp.int32, (16,), 0) * _LSTRIDE

    def body(s):
        idx = bv[pl.ds(s, 16)] + lane_off
        m = mv[pl.ds(s, 16)]
        plsc.addupdate_scatter(a0, [idx], m * (p0[pl.ds(s, 16)] - v0[pl.ds(s, 16)]))
        plsc.addupdate_scatter(a1, [idx], m * (p1[pl.ds(s, 16)] - v1[pl.ds(s, 16)]))
        plsc.addupdate_scatter(a2, [idx], m * (p2[pl.ds(s, 16)] - v2[pl.ds(s, 16)]))

    for cp in cps:
        cp.wait()
    plsc.parallel_loop((lstart - base) // 16 * 16, _CHUNK, step=16, unroll=2)(body)

    def red_body(k, carry):
        o = k * 16
        for a, r in ((a0, r0), (a1, r1), (a2, r2)):
            tot = a[pl.ds(o, 16)]
            for lane in range(1, 16):
                tot = tot + a[pl.ds(lane * _LSTRIDE + o, 16)]
            r[pl.ds(o, 16)] = tot
        return carry

    lax.fori_loop(0, _SEGP // 16, red_body, 0)

    pltpu.sync_copy(r0, out_hbm.at[pl.ds((0 * _NW + wid) * _SEGP, _SEGP)])
    pltpu.sync_copy(r1, out_hbm.at[pl.ds((1 * _NW + wid) * _SEGP, _SEGP)])
    pltpu.sync_copy(r2, out_hbm.at[pl.ds((2 * _NW + wid) * _SEGP, _SEGP)])


_sc_partials = functools.partial(
    pl.kernel,
    mesh=plsc.VectorSubcoreMesh(core_axis_name="c", subcore_axis_name="s"),
    out_type=jax.ShapeDtypeStruct((_NW * 3 * _SEGP,), jnp.float32),
    compiler_params=pltpu.CompilerParams(needs_layout_passes=False),
    scratch_types=[
        pltpu.VMEM((_CHUNK,), jnp.float32),
        pltpu.VMEM((_CHUNK,), jnp.float32),
        pltpu.VMEM((_CHUNK,), jnp.float32),
        pltpu.VMEM((_CHUNK,), jnp.float32),
        pltpu.VMEM((_CHUNK,), jnp.float32),
        pltpu.VMEM((_CHUNK,), jnp.float32),
        pltpu.VMEM((_CHUNK,), jnp.float32),
        pltpu.VMEM((_CHUNK,), jnp.int32),
        pltpu.VMEM((16 * _LSTRIDE,), jnp.float32),
        pltpu.VMEM((16 * _LSTRIDE,), jnp.float32),
        pltpu.VMEM((16 * _LSTRIDE,), jnp.float32),
        pltpu.VMEM((_SEGP,), jnp.float32),
        pltpu.VMEM((_SEGP,), jnp.float32),
        pltpu.VMEM((_SEGP,), jnp.float32),
        pltpu.SemaphoreType.DMA,
    ],
)(_sc_body)


def _tc_body(p_ref, o_ref):
    x = p_ref[...].reshape(3 * _NW, _SEGP)
    acc = jnp.float32(0.0)
    for c in range(3):
        s = jnp.sum(x[c * _NW:(c + 1) * _NW, :], axis=0)
        acc = acc + jnp.sum(s * s)
    o_ref[0, 0] = acc * (_W / (3.0 * _NUM_SEG))


_tc_finish = pl.pallas_call(
    _tc_body,
    out_shape=jax.ShapeDtypeStruct((1, 1), jnp.float32),
    out_specs=pl.BlockSpec(memory_space=pltpu.SMEM),
)


def kernel(pred, vel, y, mass, batch):
    del y
    pvT = lax.reshape(pred[:, 3:6], (3 * _N,), dimensions=(1, 0))
    vT = lax.reshape(vel, (3 * _N,), dimensions=(1, 0))
    partials = _sc_partials(pvT, vT, mass, batch.astype(jnp.int32))
    return _tc_finish(partials)[0, 0]

# --- scband reference (transcript-rebuilt; emitter-appended) ---
"""Pipeline reference for scband-momentum-loss-73031623901578 (READ-ONLY COPY).

The authoritative reference and input builder live on the scoring server;
editing this copy changes nothing except your own understanding.
"""

import jax, jax.numpy as jnp
import numpy as np

N = 100000
NUM_SEGMENTS = 100
WEIGHT = 0.0001

def setup_inputs(seed: int = 0) -> dict:
    key = jax.random.key(seed)
    k1, k2, k3, k4, k5 = jax.random.split(key, 5)
    pred = jax.random.normal(k1, (N, 6), dtype=jnp.float32)
    vel = jax.random.normal(k2, (N, 3), dtype=jnp.float32)
    y = jax.random.normal(k3, (N, 6), dtype=jnp.float32)
    mass = jax.random.uniform(k4, (N,), dtype=jnp.float32)
    batch = jnp.sort(jax.random.randint(k5, (N,), 0, NUM_SEGMENTS, dtype=jnp.int64))
    return {"pred": pred, "vel": vel, "y": y, "mass": mass, "batch": batch}

def reference(pred, vel, y, mass, batch):
    current_vel = vel
    predicted_vel = pred[..., 3:]
    target_vel = y[..., 3:]
    m = mass[:, None]
    momentum_current_all = m * current_vel
    momentum_pred_all = m * predicted_vel
    momentum_target_all = m * target_vel
    momentum_current = jax.ops.segment_sum(momentum_current_all, batch, num_segments=NUM_SEGMENTS)
    momentum_pred = jax.ops.segment_sum(momentum_pred_all, batch, num_segments=NUM_SEGMENTS)
    momentum_target = jax.ops.segment_sum(momentum_target_all, batch, num_segments=NUM_SEGMENTS)
    loss_pred = jnp.mean((momentum_pred - momentum_current) ** 2)
    return loss_pred * WEIGHT

if __name__ == "__main__":
    import jax
    _d = setup_inputs()
    print(jax.jit(kernel)(*tuple(_d.values())))

</pallas_src>

<mosaic_0001>
#map = affine_map<(d0, d1) -> (0)>
module attributes {stable_mosaic.version = 14 : i64} {
  func.func @_sc_body(%arg0: i32, %arg1: i32, %arg2: memref<300000xf32, #tpu.memory_space<hbm>>, %arg3: memref<300000xf32, #tpu.memory_space<hbm>>, %arg4: memref<100000xf32, #tpu.memory_space<hbm>>, %arg5: memref<100000xi32, #tpu.memory_space<hbm>>, %arg6: memref<12288xf32, #tpu.memory_space<hbm>>, %arg7: memref<3136xf32, #tpu.memory_space<vmem>>, %arg8: memref<3136xf32, #tpu.memory_space<vmem>>, %arg9: memref<3136xf32, #tpu.memory_space<vmem>>, %arg10: memref<3136xf32, #tpu.memory_space<vmem>>, %arg11: memref<3136xf32, #tpu.memory_space<vmem>>, %arg12: memref<3136xf32, #tpu.memory_space<vmem>>, %arg13: memref<3136xf32, #tpu.memory_space<vmem>>, %arg14: memref<3136xi32, #tpu.memory_space<vmem>>, %arg15: memref<2064xf32, #tpu.memory_space<vmem>>, %arg16: memref<2064xf32, #tpu.memory_space<vmem>>, %arg17: memref<2064xf32, #tpu.memory_space<vmem>>, %arg18: memref<128xf32, #tpu.memory_space<vmem>>, %arg19: memref<128xf32, #tpu.memory_space<vmem>>, %arg20: memref<128xf32, #tpu.memory_space<vmem>>, %arg21: memref<!tpu.dma_semaphore, #tpu.memory_space<semaphore_mem>>) attributes {dimension_semantics = [#tpu.dimension_semantics<core_parallel>, #tpu.dimension_semantics<subcore_parallel>], iteration_bounds = array<i64: 2, 16>, scalar_prefetch = 0 : i64, scratch_operands = 15 : i64, tpu.core_type = #tpu.core_type<sc_vector_subcore>, window_params = [{transform_indices = #map}, {transform_indices = #map}, {transform_indices = #map}, {transform_indices = #map}, {transform_indices = #map}]} {
    %mul3A = arith.constant 2 : i32
    %mul3A_0 = arith.muli %arg1, %mul3A : i32
    %add3A = arith.addi %mul3A_0, %arg0 : i32
    %mul3A_1 = arith.constant 3136 : i32
    %mul3A_2 = arith.muli %add3A, %mul3A_1 : i32
    %min3A = arith.constant 96864 : i32
    %min3A_3 = arith.minsi %mul3A_2, %min3A : i32
    %add3A_4 = arith.constant 0 : i32
    %add3A_5 = arith.addi %add3A_4, %min3A_3 : i32
    %dma_start3A = tpu.memref_slice %arg2[%add3A_5] : memref<300000xf32, #tpu.memory_space<hbm>> -> memref<3136xf32, #tpu.memory_space<hbm>>
    %dma_start3A_6 = tpu.memref_slice %arg2[%add3A_5] : memref<300000xf32, #tpu.memory_space<hbm>> -> memref<3136xf32, #tpu.memory_space<hbm>>
    tpu.enqueue_dma source(%dma_start3A_6 : memref<3136xf32, #tpu.memory_space<hbm>>) target(%arg7 : memref<3136xf32, #tpu.memory_space<vmem>>) target_semaphore(%arg21 : memref<!tpu.dma_semaphore, #tpu.memory_space<semaphore_mem>>)
    %add3A_7 = arith.constant 100000 : i32
    %add3A_8 = arith.addi %add3A_7, %min3A_3 : i32
    %dma_start3A_9 = tpu.memref_slice %arg2[%add3A_8] : memref<300000xf32, #tpu.memory_space<hbm>> -> memref<3136xf32, #tpu.memory_space<hbm>>
    %dma_start3A_10 = tpu.memref_slice %arg2[%add3A_8] : memref<300000xf32, #tpu.memory_space<hbm>> -> memref<3136xf32, #tpu.memory_space<hbm>>
    tpu.enqueue_dma source(%dma_start3A_10 : memref<3136xf32, #tpu.memory_space<hbm>>) target(%arg8 : memref<3136xf32, #tpu.memory_space<vmem>>) target_semaphore(%arg21 : memref<!tpu.dma_semaphore, #tpu.memory_space<semaphore_mem>>)
    %add3A_11 = arith.constant 200000 : i32
    %add3A_12 = arith.addi %add3A_11, %min3A_3 : i32
    %dma_start3A_13 = tpu.memref_slice %arg2[%add3A_12] : memref<300000xf32, #tpu.memory_space<hbm>> -> memref<3136xf32, #tpu.memory_space<hbm>>
    %dma_start3A_14 = tpu.memref_slice %arg2[%add3A_12] : memref<300000xf32, #tpu.memory_space<hbm>> -> memref<3136xf32, #tpu.memory_space<hbm>>
    tpu.enqueue_dma source(%dma_start3A_14 : memref<3136xf32, #tpu.memory_space<hbm>>) target(%arg9 : memref<3136xf32, #tpu.memory_space<vmem>>) target_semaphore(%arg21 : memref<!tpu.dma_semaphore, #tpu.memory_space<semaphore_mem>>)
    %add3A_15 = arith.constant 0 : i32
    %add3A_16 = arith.addi %add3A_15, %min3A_3 : i32
    %dma_start3A_17 = tpu.memref_slice %arg3[%add3A_16] : memref<300000xf32, #tpu.memory_space<hbm>> -> memref<3136xf32, #tpu.memory_space<hbm>>
    %dma_start3A_18 = tpu.memref_slice %arg3[%add3A_16] : memref<300000xf32, #tpu.memory_space<hbm>> -> memref<3136xf32, #tpu.memory_space<hbm>>
    tpu.enqueue_dma source(%dma_start3A_18 : memref<3136xf32, #tpu.memory_space<hbm>>) target(%arg10 : memref<3136xf32, #tpu.memory_space<vmem>>) target_semaphore(%arg21 : memref<!tpu.dma_semaphore, #tpu.memory_space<semaphore_mem>>)
    %add3A_19 = arith.constant 100000 : i32
    %add3A_20 = arith.addi %add3A_19, %min3A_3 : i32
    %dma_start3A_21 = tpu.memref_slice %arg3[%add3A_20] : memref<300000xf32, #tpu.memory_space<hbm>> -> memref<3136xf32, #tpu.memory_space<hbm>>
    %dma_start3A_22 = tpu.memref_slice %arg3[%add3A_20] : memref<300000xf32, #tpu.memory_space<hbm>> -> memref<3136xf32, #tpu.memory_space<hbm>>
    tpu.enqueue_dma source(%dma_start3A_22 : memref<3136xf32, #tpu.memory_space<hbm>>) target(%arg11 : memref<3136xf32, #tpu.memory_space<vmem>>) target_semaphore(%arg21 : memref<!tpu.dma_semaphore, #tpu.memory_space<semaphore_mem>>)
    %add3A_23 = arith.constant 200000 : i32
    %add3A_24 = arith.addi %add3A_23, %min3A_3 : i32
    %dma_start3A_25 = tpu.memref_slice %arg3[%add3A_24] : memref<300000xf32, #tpu.memory_space<hbm>> -> memref<3136xf32, #tpu.memory_space<hbm>>
    %dma_start3A_26 = tpu.memref_slice %arg3[%add3A_24] : memref<300000xf32, #tpu.memory_space<hbm>> -> memref<3136xf32, #tpu.memory_space<hbm>>
    tpu.enqueue_dma source(%dma_start3A_26 : memref<3136xf32, #tpu.memory_space<hbm>>) target(%arg12 : memref<3136xf32, #tpu.memory_space<vmem>>) target_semaphore(%arg21 : memref<!tpu.dma_semaphore, #tpu.memory_space<semaphore_mem>>)
    %dma_start3A_27 = tpu.memref_slice %arg4[%min3A_3] : memref<100000xf32, #tpu.memory_space<hbm>> -> memref<3136xf32, #tpu.memory_space<hbm>>
    %dma_start3A_28 = tpu.memref_slice %arg4[%min3A_3] : memref<100000xf32, #tpu.memory_space<hbm>> -> memref<3136xf32, #tpu.memory_space<hbm>>
    tpu.enqueue_dma source(%dma_start3A_28 : memref<3136xf32, #tpu.memory_space<hbm>>) target(%arg13 : memref<3136xf32, #tpu.memory_space<vmem>>) target_semaphore(%arg21 : memref<!tpu.dma_semaphore, #tpu.memory_space<semaphore_mem>>)
    %dma_start3A_29 = tpu.memref_slice %arg5[%min3A_3] : memref<100000xi32, #tpu.memory_space<hbm>> -> memref<3136xi32, #tpu.memory_space<hbm>>
    %dma_start3A_30 = tpu.memref_slice %arg5[%min3A_3] : memref<100000xi32, #tpu.memory_space<hbm>> -> memref<3136xi32, #tpu.memory_space<hbm>>
    tpu.enqueue_dma source(%dma_start3A_30 : memref<3136xi32, #tpu.memory_space<hbm>>) target(%arg14 : memref<3136xi32, #tpu.memory_space<vmem>>) target_semaphore(%arg21 : memref<!tpu.dma_semaphore, #tpu.memory_space<semaphore_mem>>)
    %broadcast_in_dim3A = arith.constant 0.000000e+00 : f32
    %broadcast_in_dim3A_31 = vector.broadcast %broadcast_in_dim3A : f32 to vector<16xf32>
    %scan3A = arith.constant 0 : i32
    %scan3A_32 = arith.constant 0 : i32
    %scan3A_33 = arith.constant 129 : i32
    %scan3A_34 = arith.addi %scan3A_32, %scan3A_33 : i32
    %scan3A_35 = arith.constant 1 : i32
    scf.for %scan3A_93 = %scan3A_32 to %scan3A_34 step %scan3A_35  : i32 {
      %mul3A_94 = arith.constant 16 : i32
      %mul3A_95 = arith.muli %scan3A_93, %mul3A_94 : i32
      %swap3A = arith.index_cast %mul3A_95 : i32 to index
      %swap3A_96 = tpu.vector_load %arg15[%swap3A] {strides = array<i32>} : memref<2064xf32, #tpu.memory_space<vmem>>, vector<16xf32>,
      tpu.vector_store %arg15[%swap3A], %broadcast_in_dim3A_31 {strides = array<i32>} : memref<2064xf32, #tpu.memory_space<vmem>>, vector<16xf32>,
      %mul3A_97 = arith.constant 16 : i32
      %mul3A_98 = arith.muli %scan3A_93, %mul3A_97 : i32
      %swap3A_99 = arith.index_cast %mul3A_98 : i32 to index
      %swap3A_100 = tpu.vector_load %arg16[%swap3A_99] {strides = array<i32>} : memref<2064xf32, #tpu.memory_space<vmem>>, vector<16xf32>,
      tpu.vector_store %arg16[%swap3A_99], %broadcast_in_dim3A_31 {strides = array<i32>} : memref<2064xf32, #tpu.memory_space<vmem>>, vector<16xf32>,
      %mul3A_101 = arith.constant 16 : i32
      %mul3A_102 = arith.muli %scan3A_93, %mul3A_101 : i32
      %swap3A_103 = arith.index_cast %mul3A_102 : i32 to index
      %swap3A_104 = tpu.vector_load %arg17[%swap3A_103] {strides = array<i32>} : memref<2064xf32, #tpu.memory_space<vmem>>, vector<16xf32>,
      tpu.vector_store %arg17[%swap3A_103], %broadcast_in_dim3A_31 {strides = array<i32>} : memref<2064xf32, #tpu.memory_space<vmem>>, vector<16xf32>,
    }
    %scan3A_36 = arith.constant 129 : i32
    %iota3A = tpu.iota {dimensions = array<i32: 0>} : vector<16xi32>
    %mul3A_37 = arith.constant 129 : i32
    %mul3A_38 = vector.broadcast %mul3A_37 : i32 to vector<16xi32>
    %mul3A_39 = arith.muli %iota3A, %mul3A_38 : vector<16xi32>
    %dma_wait3A = tpu.memref_slice %arg2[%add3A_5] : memref<300000xf32, #tpu.memory_space<hbm>> -> memref<3136xf32, #tpu.memory_space<hbm>>
    %dma_wait3A_40 = tpu.memref_slice %arg2[%add3A_5] : memref<300000xf32, #tpu.memory_space<hbm>> -> memref<3136xf32, #tpu.memory_space<hbm>>
    tpu.wait_dma2 semaphore(%arg21 : memref<!tpu.dma_semaphore, #tpu.memory_space<semaphore_mem>>) src(%dma_wait3A_40 : memref<3136xf32, #tpu.memory_space<hbm>>) dst(%arg7 : memref<3136xf32, #tpu.memory_space<vmem>>)
    %dma_wait3A_41 = tpu.memref_slice %arg2[%add3A_8] : memref<300000xf32, #tpu.memory_space<hbm>> -> memref<3136xf32, #tpu.memory_space<hbm>>
    %dma_wait3A_42 = tpu.memref_slice %arg2[%add3A_8] : memref<300000xf32, #tpu.memory_space<hbm>> -> memref<3136xf32, #tpu.memory_space<hbm>>
    tpu.wait_dma2 semaphore(%arg21 : memref<!tpu.dma_semaphore, #tpu.memory_space<semaphore_mem>>) src(%dma_wait3A_42 : memref<3136xf32, #tpu.memory_space<hbm>>) dst(%arg8 : memref<3136xf32, #tpu.memory_space<vmem>>)
    %dma_wait3A_43 = tpu.memref_slice %arg2[%add3A_12] : memref<300000xf32, #tpu.memory_space<hbm>> -> memref<3136xf32, #tpu.memory_space<hbm>>
    %dma_wait3A_44 = tpu.memref_slice %arg2[%add3A_12] : memref<300000xf32, #tpu.memory_space<hbm>> -> memref<3136xf32, #tpu.memory_space<hbm>>
    tpu.wait_dma2 semaphore(%arg21 : memref<!tpu.dma_semaphore, #tpu.memory_space<semaphore_mem>>) src(%dma_wait3A_44 : memref<3136xf32, #tpu.memory_space<hbm>>) dst(%arg9 : memref<3136xf32, #tpu.memory_space<vmem>>)
    %dma_wait3A_45 = tpu.memref_slice %arg3[%add3A_16] : memref<300000xf32, #tpu.memory_space<hbm>> -> memref<3136xf32, #tpu.memory_space<hbm>>
    %dma_wait3A_46 = tpu.memref_slice %arg3[%add3A_16] : memref<300000xf32, #tpu.memory_space<hbm>> -> memref<3136xf32, #tpu.memory_space<hbm>>
    tpu.wait_dma2 semaphore(%arg21 : memref<!tpu.dma_semaphore, #tpu.memory_space<semaphore_mem>>) src(%dma_wait3A_46 : memref<3136xf32, #tpu.memory_space<hbm>>) dst(%arg10 : memref<3136xf32, #tpu.memory_space<vmem>>)
    %dma_wait3A_47 = tpu.memref_slice %arg3[%add3A_20] : memref<300000xf32, #tpu.memory_space<hbm>> -> memref<3136xf32, #tpu.memory_space<hbm>>
    %dma_wait3A_48 = tpu.memref_slice %arg3[%add3A_20] : memref<300000xf32, #tpu.memory_space<hbm>> -> memref<3136xf32, #tpu.memory_space<hbm>>
    tpu.wait_dma2 semaphore(%arg21 : memref<!tpu.dma_semaphore, #tpu.memory_space<semaphore_mem>>) src(%dma_wait3A_48 : memref<3136xf32, #tpu.memory_space<hbm>>) dst(%arg11 : memref<3136xf32, #tpu.memory_space<vmem>>)
    %dma_wait3A_49 = tpu.memref_slice %arg3[%add3A_24] : memref<300000xf32, #tpu.memory_space<hbm>> -> memref<3136xf32, #tpu.memory_space<hbm>>
    %dma_wait3A_50 = tpu.memref_slice %arg3[%add3A_24] : memref<300000xf32, #tpu.memory_space<hbm>> -> memref<3136xf32, #tpu.memory_space<hbm>>
    tpu.wait_dma2 semaphore(%arg21 : memref<!tpu.dma_semaphore, #tpu.memory_space<semaphore_mem>>) src(%dma_wait3A_50 : memref<3136xf32, #tpu.memory_space<hbm>>) dst(%arg12 : memref<3136xf32, #tpu.memory_space<vmem>>)
    %dma_wait3A_51 = tpu.memref_slice %arg4[%min3A_3] : memref<100000xf32, #tpu.memory_space<hbm>> -> memref<3136xf32, #tpu.memory_space<hbm>>
    %dma_wait3A_52 = tpu.memref_slice %arg4[%min3A_3] : memref<100000xf32, #tpu.memory_space<hbm>> -> memref<3136xf32, #tpu.memory_space<hbm>>
    tpu.wait_dma2 semaphore(%arg21 : memref<!tpu.dma_semaphore, #tpu.memory_space<semaphore_mem>>) src(%dma_wait3A_52 : memref<3136xf32, #tpu.memory_space<hbm>>) dst(%arg13 : memref<3136xf32, #tpu.memory_space<vmem>>)
    %dma_wait3A_53 = tpu.memref_slice %arg5[%min3A_3] : memref<100000xi32, #tpu.memory_space<hbm>> -> memref<3136xi32, #tpu.memory_space<hbm>>
    %dma_wait3A_54 = tpu.memref_slice %arg5[%min3A_3] : memref<100000xi32, #tpu.memory_space<hbm>> -> memref<3136xi32, #tpu.memory_space<hbm>>
    tpu.wait_dma2 semaphore(%arg21 : memref<!tpu.dma_semaphore, #tpu.memory_space<semaphore_mem>>) src(%dma_wait3A_54 : memref<3136xi32, #tpu.memory_space<hbm>>) dst(%arg14 : memref<3136xi32, #tpu.memory_space<vmem>>)
    %sub3A = arith.subi %mul3A_2, %min3A_3 : i32
    %jit3A = arith.constant 16 : i32
    %div3A = arith.divsi %sub3A, %jit3A : i32
    %sign3A = arith.constant 0 : i32
    %sign3A_55 = arith.cmpi sgt, %sub3A, %sign3A : i32
    %sign3A_56 = arith.extui %sign3A_55 : i1 to i32
    %sign3A_57 = arith.constant 0 : i32
    %sign3A_58 = arith.cmpi slt, %sub3A, %sign3A_57 : i32
    %sign3A_59 = arith.extui %sign3A_58 : i1 to i32
    %sign3A_60 = arith.subi %sign3A_56, %sign3A_59 : i32
    %sign3A_61 = arith.constant 0 : i32
    %sign3A_62 = arith.cmpi sgt, %jit3A, %sign3A_61 : i32
    %sign3A_63 = arith.extui %sign3A_62 : i1 to i32
    %sign3A_64 = arith.constant 0 : i32
    %sign3A_65 = arith.cmpi slt, %jit3A, %sign3A_64 : i32
    %sign3A_66 = arith.extui %sign3A_65 : i1 to i32
    %sign3A_67 = arith.subi %sign3A_63, %sign3A_66 : i32
    %ne3A = arith.cmpi ne, %sign3A_60, %sign3A_67 : i32
    %rem3A = arith.remsi %sub3A, %jit3A : i32
    %ne3A_68 = arith.constant 0 : i32
    %ne3A_69 = arith.cmpi ne, %rem3A, %ne3A_68 : i32
    %and3A = arith.andi %ne3A, %ne3A_69 : i1
    %sub3A_70 = arith.constant 1 : i32
    %sub3A_71 = arith.subi %div3A, %sub3A_70 : i32
    %select_n3A = arith.select %and3A, %sub3A_71, %div3A : i32
    %mul3A_72 = arith.constant 16 : i32
    %mul3A_73 = arith.muli %select_n3A, %mul3A_72 : i32
    %parallel_loop3A = arith.constant 3136 : i32
    %parallel_loop3A_74 = arith.constant 16 : i32
    scf.for %parallel_loop3A_93 = %mul3A_73 to %parallel_loop3A step %parallel_loop3A_74  : i32 {
      %parallel_loop3A_94 = arith.index_cast %parallel_loop3A_93 : i32 to index
      %parallel_loop3A_95 = tpu.vector_load %arg14[%parallel_loop3A_94] {strides = array<i32>} : memref<3136xi32, #tpu.memory_space<vmem>>, vector<16xi32>,
      %parallel_loop3A_96 = arith.addi %parallel_loop3A_95, %mul3A_39 : vector<16xi32>
      %parallel_loop3A_97 = arith.index_cast %parallel_loop3A_93 : i32 to index
      %parallel_loop3A_98 = tpu.vector_load %arg13[%parallel_loop3A_97] {strides = array<i32>} : memref<3136xf32, #tpu.memory_space<vmem>>, vector<16xf32>,
      %parallel_loop3A_99 = arith.index_cast %parallel_loop3A_93 : i32 to index
      %parallel_loop3A_100 = tpu.vector_load %arg7[%parallel_loop3A_99] {strides = array<i32>} : memref<3136xf32, #tpu.memory_space<vmem>>, vector<16xf32>,
      %parallel_loop3A_101 = arith.index_cast %parallel_loop3A_93 : i32 to index
      %parallel_loop3A_102 = tpu.vector_load %arg10[%parallel_loop3A_101] {strides = array<i32>} : memref<3136xf32, #tpu.memory_space<vmem>>, vector<16xf32>,
      %parallel_loop3A_103 = arith.subf %parallel_loop3A_100, %parallel_loop3A_102 : vector<16xf32>
      %parallel_loop3A_104 = arith.mulf %parallel_loop3A_98, %parallel_loop3A_103 : vector<16xf32>
      tpu.vector_store_idx %arg15[%parallel_loop3A_96], %parallel_loop3A_104 {add = true} : memref<2064xf32, #tpu.memory_space<vmem>>[vector<16xi32>], vector<16xf32>,
      %parallel_loop3A_105 = arith.index_cast %parallel_loop3A_93 : i32 to index
      %parallel_loop3A_106 = tpu.vector_load %arg8[%parallel_loop3A_105] {strides = array<i32>} : memref<3136xf32, #tpu.memory_space<vmem>>, vector<16xf32>,
      %parallel_loop3A_107 = arith.index_cast %parallel_loop3A_93 : i32 to index
      %parallel_loop3A_108 = tpu.vector_load %arg11[%parallel_loop3A_107] {strides = array<i32>} : memref<3136xf32, #tpu.memory_space<vmem>>, vector<16xf32>,
      %parallel_loop3A_109 = arith.subf %parallel_loop3A_106, %parallel_loop3A_108 : vector<16xf32>
      %parallel_loop3A_110 = arith.mulf %parallel_loop3A_98, %parallel_loop3A_109 : vector<16xf32>
      tpu.vector_store_idx %arg16[%parallel_loop3A_96], %parallel_loop3A_110 {add = true} : memref<2064xf32, #tpu.memory_space<vmem>>[vector<16xi32>], vector<16xf32>,
      %parallel_loop3A_111 = arith.index_cast %parallel_loop3A_93 : i32 to index
      %parallel_loop3A_112 = tpu.vector_load %arg9[%parallel_loop3A_111] {strides = array<i32>} : memref<3136xf32, #tpu.memory_space<vmem>>, vector<16xf32>,
      %parallel_loop3A_113 = arith.index_cast %parallel_loop3A_93 : i32 to index
      %parallel_loop3A_114 = tpu.vector_load %arg12[%parallel_loop3A_113] {strides = array<i32>} : memref<3136xf32, #tpu.memory_space<vmem>>, vector<16xf32>,
      %parallel_loop3A_115 = arith.subf %parallel_loop3A_112, %parallel_loop3A_114 : vector<16xf32>
      %parallel_loop3A_116 = arith.mulf %parallel_loop3A_98, %parallel_loop3A_115 : vector<16xf32>
      tpu.vector_store_idx %arg17[%parallel_loop3A_96], %parallel_loop3A_116 {add = true} : memref<2064xf32, #tpu.memory_space<vmem>>[vector<16xi32>], vector<16xf32>,
    } {sc.loop_unroll_factor = 2 : i64, sc.parallel_access}
    %scan3A_75 = arith.constant 0 : i32
    %scan3A_76 = arith.constant 0 : i32
    %scan3A_77 = arith.constant 8 : i32
    %scan3A_78 = arith.addi %scan3A_76, %scan3A_77 : i32
    %scan3A_79 = arith.constant 1 : i32
    scf.for %scan3A_93 = %scan3A_76 to %scan3A_78 step %scan3A_79  : i32 {
      %mul3A_94 = arith.constant 16 : i32
      %mul3A_95 = arith.muli %scan3A_93, %mul3A_94 : i32
      %get3A = arith.index_cast %mul3A_95 : i32 to index
      %get3A_96 = tpu.vector_load %arg15[%get3A] {strides = array<i32>} : memref<2064xf32, #tpu.memory_space<vmem>>, vector<16xf32>,
      %add3A_97 = arith.constant 129 : i32
      %add3A_98 = arith.addi %add3A_97, %mul3A_95 : i32
      %get3A_99 = arith.index_cast %add3A_98 : i32 to index
      %get3A_100 = tpu.vector_load %arg15[%get3A_99] {strides = array<i32>} : memref<2064xf32, #tpu.memory_space<vmem>>, vector<16xf32>,
      %add3A_101 = arith.addf %get3A_96, %get3A_100 : vector<16xf32>
      %add3A_102 = arith.constant 258 : i32
      %add3A_103 = arith.addi %add3A_102, %mul3A_95 : i32
      %get3A_104 = arith.index_cast %add3A_103 : i32 to index
      %get3A_105 = tpu.vector_load %arg15[%get3A_104] {strides = array<i32>} : memref<2064xf32, #tpu.memory_space<vmem>>, vector<16xf32>,
      %add3A_106 = arith.addf %add3A_101, %get3A_105 : vector<16xf32>
      %add3A_107 = arith.constant 387 : i32
      %add3A_108 = arith.addi %add3A_107, %mul3A_95 : i32
      %get3A_109 = arith.index_cast %add3A_108 : i32 to index
      %get3A_110 = tpu.vector_load %arg15[%get3A_109] {strides = array<i32>} : memref<2064xf32, #tpu.memory_space<vmem>>, vector<16xf32>,
      %add3A_111 = arith.addf %add3A_106, %get3A_110 : vector<16xf32>
      %add3A_112 = arith.constant 516 : i32
      %add3A_113 = arith.addi %add3A_112, %mul3A_95 : i32
      %get3A_114 = arith.index_cast %add3A_113 : i32 to index
      %get3A_115 = tpu.vector_load %arg15[%get3A_114] {strides = array<i32>} : memref<2064xf32, #tpu.memory_space<vmem>>, vector<16xf32>,
      %add3A_116 = arith.addf %add3A_111, %get3A_115 : vector<16xf32>
      %add3A_117 = arith.constant 645 : i32
      %add3A_118 = arith.addi %add3A_117, %mul3A_95 : i32
      %get3A_119 = arith.index_cast %add3A_118 : i32 to index
      %get3A_120 = tpu.vector_load %arg15[%get3A_119] {strides = array<i32>} : memref<2064xf32, #tpu.memory_space<vmem>>, vector<16xf32>,
      %add3A_121 = arith.addf %add3A_116, %get3A_120 : vector<16xf32>
      %add3A_122 = arith.constant 774 : i32
      %add3A_123 = arith.addi %add3A_122, %mul3A_95 : i32
      %get3A_124 = arith.index_cast %add3A_123 : i32 to index
      %get3A_125 = tpu.vector_load %arg15[%get3A_124] {strides = array<i32>} : memref<2064xf32, #tpu.memory_space<vmem>>, vector<16xf32>,
      %add3A_126 = arith.addf %add3A_121, %get3A_125 : vector<16xf32>
      %add3A_127 = arith.constant 903 : i32
      %add3A_128 = arith.addi %add3A_127, %mul3A_95 : i32
      %get3A_129 = arith.index_cast %add3A_128 : i32 to index
      %get3A_130 = tpu.vector_load %arg15[%get3A_129] {strides = array<i32>} : memref<2064xf32, #tpu.memory_space<vmem>>, vector<16xf32>,
      %add3A_131 = arith.addf %add3A_126, %get3A_130 : vector<16xf32>
      %add3A_132 = arith.constant 1032 : i32
      %add3A_133 = arith.addi %add3A_132, %mul3A_95 : i32
      %get3A_134 = arith.index_cast %add3A_133 : i32 to index
      %get3A_135 = tpu.vector_load %arg15[%get3A_134] {strides = array<i32>} : memref<2064xf32, #tpu.memory_space<vmem>>, vector<16xf32>,
      %add3A_136 = arith.addf %add3A_131, %get3A_135 : vector<16xf32>
      %add3A_137 = arith.constant 1161 : i32
      %add3A_138 = arith.addi %add3A_137, %mul3A_95 : i32
      %get3A_139 = arith.index_cast %add3A_138 : i32 to index
      %get3A_140 = tpu.vector_load %arg15[%get3A_139] {strides = array<i32>} : memref<2064xf32, #tpu.memory_space<vmem>>, vector<16xf32>,
      %add3A_141 = arith.addf %add3A_136, %get3A_140 : vector<16xf32>
      %add3A_142 = arith.constant 1290 : i32
      %add3A_143 = arith.addi %add3A_142, %mul3A_95 : i32
      %get3A_144 = arith.index_cast %add3A_143 : i32 to index
      %get3A_145 = tpu.vector_load %arg15[%get3A_144] {strides = array<i32>} : memref<2064xf32, #tpu.memory_space<vmem>>, vector<16xf32>,
      %add3A_146 = arith.addf %add3A_141, %get3A_145 : vector<16xf32>
      %add3A_147 = arith.constant 1419 : i32
      %add3A_148 = arith.addi %add3A_147, %mul3A_95 : i32
      %get3A_149 = arith.index_cast %add3A_148 : i32 to index
      %get3A_150 = tpu.vector_load %arg15[%get3A_149] {strides = array<i32>} : memref<2064xf32, #tpu.memory_space<vmem>>, vector<16xf32>,
      %add3A_151 = arith.addf %add3A_146, %get3A_150 : vector<16xf32>
      %add3A_152 = arith.constant 1548 : i32
      %add3A_153 = arith.addi %add3A_152, %mul3A_95 : i32
      %get3A_154 = arith.index_cast %add3A_153 : i32 to index
      %get3A_155 = tpu.vector_load %arg15[%get3A_154] {strides = array<i32>} : memref<2064xf32, #tpu.memory_space<vmem>>, vector<16xf32>,
      %add3A_156 = arith.addf %add3A_151, %get3A_155 : vector<16xf32>
      %add3A_157 = arith.constant 1677 : i32
      %add3A_158 = arith.addi %add3A_157, %mul3A_95 : i32
      %get3A_159 = arith.index_cast %add3A_158 : i32 to index
      %get3A_160 = tpu.vector_load %arg15[%get3A_159] {strides = array<i32>} : memref<2064xf32, #tpu.memory_space<vmem>>, vector<16xf32>,
      %add3A_161 = arith.addf %add3A_156, %get3A_160 : vector<16xf32>
      %add3A_162 = arith.constant 1806 : i32
      %add3A_163 = arith.addi %add3A_162, %mul3A_95 : i32
      %get3A_164 = arith.index_cast %add3A_163 : i32 to index
      %get3A_165 = tpu.vector_load %arg15[%get3A_164] {strides = array<i32>} : memref<2064xf32, #tpu.memory_space<vmem>>, vector<16xf32>,
      %add3A_166 = arith.addf %add3A_161, %get3A_165 : vector<16xf32>
      %add3A_167 = arith.constant 1935 : i32
      %add3A_168 = arith.addi %add3A_167, %mul3A_95 : i32
      %get3A_169 = arith.index_cast %add3A_168 : i32 to index
      %get3A_170 = tpu.vector_load %arg15[%get3A_169] {strides = array<i32>} : memref<2064xf32, #tpu.memory_space<vmem>>, vector<16xf32>,
      %add3A_171 = arith.addf %add3A_166, %get3A_170 : vector<16xf32>
      %swap3A = arith.index_cast %mul3A_95 : i32 to index
      %swap3A_172 = tpu.vector_load %arg18[%swap3A] {strides = array<i32>} : memref<128xf32, #tpu.memory_space<vmem>>, vector<16xf32>,
      tpu.vector_store %arg18[%swap3A], %add3A_171 {strides = array<i32>} : memref<128xf32, #tpu.memory_space<vmem>>, vector<16xf32>,
      %get3A_173 = arith.index_cast %mul3A_95 : i32 to index
      %get3A_174 = tpu.vector_load %arg16[%get3A_173] {strides = array<i32>} : memref<2064xf32, #tpu.memory_space<vmem>>, vector<16xf32>,
      %add3A_175 = arith.constant 129 : i32
      %add3A_176 = arith.addi %add3A_175, %mul3A_95 : i32
      %get3A_177 = arith.index_cast %add3A_176 : i32 to index
      %get3A_178 = tpu.vector_load %arg16[%get3A_177] {strides = array<i32>} : memref<2064xf32, #tpu.memory_space<vmem>>, vector<16xf32>,
      %add3A_179 = arith.addf %get3A_174, %get3A_178 : vector<16xf32>
      %add3A_180 = arith.constant 258 : i32
      %add3A_181 = arith.addi %add3A_180, %mul3A_95 : i32
      %get3A_182 = arith.index_cast %add3A_181 : i32 to index
      %get3A_183 = tpu.vector_load %arg16[%get3A_182] {strides = array<i32>} : memref<2064xf32, #tpu.memory_space<vmem>>, vector<16xf32>,
      %add3A_184 = arith.addf %add3A_179, %get3A_183 : vector<16xf32>
      %add3A_185 = arith.constant 387 : i32
      %add3A_186 = arith.addi %add3A_185, %mul3A_95 : i32
      %get3A_187 = arith.index_cast %add3A_186 : i32 to index
      %get3A_188 = tpu.vector_load %arg16[%get3A_187] {strides = array<i32>} : memref<2064xf32, #tpu.memory_space<vmem>>, vector<16xf32>,
      %add3A_189 = arith.addf %add3A_184, %get3A_188 : vector<16xf32>
      %add3A_190 = arith.constant 516 : i32
      %add3A_191 = arith.addi %add3A_190, %mul3A_95 : i32
      %get3A_192 = arith.index_cast %add3A_191 : i32 to index
      %get3A_193 = tpu.vector_load %arg16[%get3A_192] {strides = array<i32>} : memref<2064xf32, #tpu.memory_space<vmem>>, vector<16xf32>,
      %add3A_194 = arith.addf %add3A_189, %get3A_193 : vector<16xf32>
      %add3A_195 = arith.constant 645 : i32
      %add3A_196 = arith.addi %add3A_195, %mul3A_95 : i32
      %get3A_197 = arith.index_cast %add3A_196 : i32 to index
      %get3A_198 = tpu.vector_load %arg16[%get3A_197] {strides = array<i32>} : memref<2064xf32, #tpu.memory_space<vmem>>, vector<16xf32>,
      %add3A_199 = arith.addf %add3A_194, %get3A_198 : vector<16xf32>
      %add3A_200 = arith.constant 774 : i32
      %add3A_201 = arith.addi %add3A_200, %mul3A_95 : i32
      %get3A_202 = arith.index_cast %add3A_201 : i32 to index
      %get3A_203 = tpu.vector_load %arg16[%get3A_202] {strides = array<i32>} : memref<2064xf32, #tpu.memory_space<vmem>>, vector<16xf32>,
      %add3A_204 = arith.addf %add3A_199, %get3A_203 : vector<16xf32>
      %add3A_205 = arith.constant 903 : i32
      %add3A_206 = arith.addi %add3A_205, %mul3A_95 : i32
      %get3A_207 = arith.index_cast %add3A_206 : i32 to index
      %get3A_208 = tpu.vector_load %arg16[%get3A_207] {strides = array<i32>} : memref<2064xf32, #tpu.memory_space<vmem>>, vector<16xf32>,
      %add3A_209 = arith.addf %add3A_204, %get3A_208 : vector<16xf32>
      %add3A_210 = arith.constant 1032 : i32
      %add3A_211 = arith.addi %add3A_210, %mul3A_95 : i32
      %get3A_212 = arith.index_cast %add3A_211 : i32 to index
      %get3A_213 = tpu.vector_load %arg16[%get3A_212] {strides = array<i32>} : memref<2064xf32, #tpu.memory_space<vmem>>, vector<16xf32>,
      %add3A_214 = arith.addf %add3A_209, %get3A_213 : vector<16xf32>
      %add3A_215 = arith.constant 1161 : i32
      %add3A_216 = arith.addi %add3A_215, %mul3A_95 : i32
      %get3A_217 = arith.index_cast %add3A_216 : i32 to index
      %get3A_218 = tpu.vector_load %arg16[%get3A_217] {strides = array<i32>} : memref<2064xf32, #tpu.memory_space<vmem>>, vector<16xf32>,
      %add3A_219 = arith.addf %add3A_214, %get3A_218 : vector<16xf32>
      %add3A_220 = arith.constant 1290 : i32
      %add3A_221 = arith.addi %add3A_220, %mul3A_95 : i32
      %get3A_222 = arith.index_cast %add3A_221 : i32 to index
      %get3A_223 = tpu.vector_load %arg16[%get3A_222] {strides = array<i32>} : memref<2064xf32, #tpu.memory_space<vmem>>, vector<16xf32>,
      %add3A_224 = arith.addf %add3A_219, %get3A_223 : vector<16xf32>
      %add3A_225 = arith.constant 1419 : i32
      %add3A_226 = arith.addi %add3A_225, %mul3A_95 : i32
      %get3A_227 = arith.index_cast %add3A_226 : i32 to index
      %get3A_228 = tpu.vector_load %arg16[%get3A_227] {strides = array<i32>} : memref<2064xf32, #tpu.memory_space<vmem>>, vector<16xf32>,
      %add3A_229 = arith.addf %add3A_224, %get3A_228 : vector<16xf32>
      %add3A_230 = arith.constant 1548 : i32
      %add3A_231 = arith.addi %add3A_230, %mul3A_95 : i32
      %get3A_232 = arith.index_cast %add3A_231 : i32 to index
      %get3A_233 = tpu.vector_load %arg16[%get3A_232] {strides = array<i32>} : memref<2064xf32, #tpu.memory_space<vmem>>, vector<16xf32>,
      %add3A_234 = arith.addf %add3A_229, %get3A_233 : vector<16xf32>
      %add3A_235 = arith.constant 1677 : i32
      %add3A_236 = arith.addi %add3A_235, %mul3A_95 : i32
      %get3A_237 = arith.index_cast %add3A_236 : i32 to index
      %get3A_238 = tpu.vector_load %arg16[%get3A_237] {strides = array<i32>} : memref<2064xf32, #tpu.memory_space<vmem>>, vector<16xf32>,
      %add3A_239 = arith.addf %add3A_234, %get3A_238 : vector<16xf32>
      %add3A_240 = arith.constant 1806 : i32
      %add3A_241 = arith.addi %add3A_240, %mul3A_95 : i32
      %get3A_242 = arith.index_cast %add3A_241 : i32 to index
      %get3A_243 = tpu.vector_load %arg16[%get3A_242] {strides = array<i32>} : memref<2064xf32, #tpu.memory_space<vmem>>, vector<16xf32>,
      %add3A_244 = arith.addf %add3A_239, %get3A_243 : vector<16xf32>
      %add3A_245 = arith.constant 1935 : i32
      %add3A_246 = arith.addi %add3A_245, %mul3A_95 : i32
      %get3A_247 = arith.index_cast %add3A_246 : i32 to index
      %get3A_248 = tpu.vector_load %arg16[%get3A_247] {strides = array<i32>} : memref<2064xf32, #tpu.memory_space<vmem>>, vector<16xf32>,
      %add3A_249 = arith.addf %add3A_244, %get3A_248 : vector<16xf32>
      %swap3A_250 = arith.index_cast %mul3A_95 : i32 to index
      %swap3A_251 = tpu.vector_load %arg19[%swap3A_250] {strides = array<i32>} : memref<128xf32, #tpu.memory_space<vmem>>, vector<16xf32>,
      tpu.vector_store %arg19[%swap3A_250], %add3A_249 {strides = array<i32>} : memref<128xf32, #tpu.memory_space<vmem>>, vector<16xf32>,
      %get3A_252 = arith.index_cast %mul3A_95 : i32 to index
      %get3A_253 = tpu.vector_load %arg17[%get3A_252] {strides = array<i32>} : memref<2064xf32, #tpu.memory_space<vmem>>, vector<16xf32>,
      %add3A_254 = arith.constant 129 : i32
      %add3A_255 = arith.addi %add3A_254, %mul3A_95 : i32
      %get3A_256 = arith.index_cast %add3A_255 : i32 to index
      %get3A_257 = tpu.vector_load %arg17[%get3A_256] {strides = array<i32>} : memref<2064xf32, #tpu.memory_space<vmem>>, vector<16xf32>,
      %add3A_258 = arith.addf %get3A_253, %get3A_257 : vector<16xf32>
      %add3A_259 = arith.constant 258 : i32
      %add3A_260 = arith.addi %add3A_259, %mul3A_95 : i32
      %get3A_261 = arith.index_cast %add3A_260 : i32 to index
      %get3A_262 = tpu.vector_load %arg17[%get3A_261] {strides = array<i32>} : memref<2064xf32, #tpu.memory_space<vmem>>, vector<16xf32>,
      %add3A_263 = arith.addf %add3A_258, %get3A_262 : vector<16xf32>
      %add3A_264 = arith.constant 387 : i32
      %add3A_265 = arith.addi %add3A_264, %mul3A_95 : i32
      %get3A_266 = arith.index_cast %add3A_265 : i32 to index
      %get3A_267 = tpu.vector_load %arg17[%get3A_266] {strides = array<i32>} : memref<2064xf32, #tpu.memory_space<vmem>>, vector<16xf32>,
      %add3A_268 = arith.addf %add3A_263, %get3A_267 : vector<16xf32>
      %add3A_269 = arith.constant 516 : i32
      %add3A_270 = arith.addi %add3A_269, %mul3A_95 : i32
      %get3A_271 = arith.index_cast %add3A_270 : i32 to index
      %get3A_272 = tpu.vector_load %arg17[%get3A_271] {strides = array<i32>} : memref<2064xf32, #tpu.memory_space<vmem>>, vector<16xf32>,
      %add3A_273 = arith.addf %add3A_268, %get3A_272 : vector<16xf32>
      %add3A_274 = arith.constant 645 : i32
      %add3A_275 = arith.addi %add3A_274, %mul3A_95 : i32
      %get3A_276 = arith.index_cast %add3A_275 : i32 to index
      %get3A_277 = tpu.vector_load %arg17[%get3A_276] {strides = array<i32>} : memref<2064xf32, #tpu.memory_space<vmem>>, vector<16xf32>,
      %add3A_278 = arith.addf %add3A_273, %get3A_277 : vector<16xf32>
      %add3A_279 = arith.constant 774 : i32
      %add3A_280 = arith.addi %add3A_279, %mul3A_95 : i32
      %get3A_281 = arith.index_cast %add3A_280 : i32 to index
      %get3A_282 = tpu.vector_load %arg17[%get3A_281] {strides = array<i32>} : memref<2064xf32, #tpu.memory_space<vmem>>, vector<16xf32>,
      %add3A_283 = arith.addf %add3A_278, %get3A_282 : vector<16xf32>
      %add3A_284 = arith.constant 903 : i32
      %add3A_285 = arith.addi %add3A_284, %mul3A_95 : i32
      %get3A_286 = arith.index_cast %add3A_285 : i32 to index
      %get3A_287 = tpu.vector_load %arg17[%get3A_286] {strides = array<i32>} : memref<2064xf32, #tpu.memory_space<vmem>>, vector<16xf32>,
      %add3A_288 = arith.addf %add3A_283, %get3A_287 : vector<16xf32>
      %add3A_289 = arith.constant 1032 : i32
      %add3A_290 = arith.addi %add3A_289, %mul3A_95 : i32
      %get3A_291 = arith.index_cast %add3A_290 : i32 to index
      %get3A_292 = tpu.vector_load %arg17[%get3A_291] {strides = array<i32>} : memref<2064xf32, #tpu.memory_space<vmem>>, vector<16xf32>,
      %add3A_293 = arith.addf %add3A_288, %get3A_292 : vector<16xf32>
      %add3A_294 = arith.constant 1161 : i32
      %add3A_295 = arith.addi %add3A_294, %mul3A_95 : i32
      %get3A_296 = arith.index_cast %add3A_295 : i32 to index
      %get3A_297 = tpu.vector_load %arg17[%get3A_296] {strides = array<i32>} : memref<2064xf32, #tpu.memory_space<vmem>>, vector<16xf32>,
      %add3A_298 = arith.addf %add3A_293, %get3A_297 : vector<16xf32>
      %add3A_299 = arith.constant 1290 : i32
      %add3A_300 = arith.addi %add3A_299, %mul3A_95 : i32
      %get3A_301 = arith.index_cast %add3A_300 : i32 to index
      %get3A_302 = tpu.vector_load %arg17[%get3A_301] {strides = array<i32>} : memref<2064xf32, #tpu.memory_space<vmem>>, vector<16xf32>,
      %add3A_303 = arith.addf %add3A_298, %get3A_302 : vector<16xf32>
      %add3A_304 = arith.constant 1419 : i32
      %add3A_305 = arith.addi %add3A_304, %mul3A_95 : i32
      %get3A_306 = arith.index_cast %add3A_305 : i32 to index
      %get3A_307 = tpu.vector_load %arg17[%get3A_306] {strides = array<i32>} : memref<2064xf32, #tpu.memory_space<vmem>>, vector<16xf32>,
      %add3A_308 = arith.addf %add3A_303, %get3A_307 : vector<16xf32>
      %add3A_309 = arith.constant 1548 : i32
      %add3A_310 = arith.addi %add3A_309, %mul3A_95 : i32
      %get3A_311 = arith.index_cast %add3A_310 : i32 to index
      %get3A_312 = tpu.vector_load %arg17[%get3A_311] {strides = array<i32>} : memref<2064xf32, #tpu.memory_space<vmem>>, vector<16xf32>,
      %add3A_313 = arith.addf %add3A_308, %get3A_312 : vector<16xf32>
      %add3A_314 = arith.constant 1677 : i32
      %add3A_315 = arith.addi %add3A_314, %mul3A_95 : i32
      %get3A_316 = arith.index_cast %add3A_315 : i32 to index
      %get3A_317 = tpu.vector_load %arg17[%get3A_316] {strides = array<i32>} : memref<2064xf32, #tpu.memory_space<vmem>>, vector<16xf32>,
      %add3A_318 = arith.addf %add3A_313, %get3A_317 : vector<16xf32>
      %add3A_319 = arith.constant 1806 : i32
      %add3A_320 = arith.addi %add3A_319, %mul3A_95 : i32
      %get3A_321 = arith.index_cast %add3A_320 : i32 to index
      %get3A_322 = tpu.vector_load %arg17[%get3A_321] {strides = array<i32>} : memref<2064xf32, #tpu.memory_space<vmem>>, vector<16xf32>,
      %add3A_323 = arith.addf %add3A_318, %get3A_322 : vector<16xf32>
      %add3A_324 = arith.constant 1935 : i32
      %add3A_325 = arith.addi %add3A_324, %mul3A_95 : i32
      %get3A_326 = arith.index_cast %add3A_325 : i32 to index
      %get3A_327 = tpu.vector_load %arg17[%get3A_326] {strides = array<i32>} : memref<2064xf32, #tpu.memory_space<vmem>>, vector<16xf32>,
      %add3A_328 = arith.addf %add3A_323, %get3A_327 : vector<16xf32>
      %swap3A_329 = arith.index_cast %mul3A_95 : i32 to index
      %swap3A_330 = tpu.vector_load %arg20[%swap3A_329] {strides = array<i32>} : memref<128xf32, #tpu.memory_space<vmem>>, vector<16xf32>,
      tpu.vector_store %arg20[%swap3A_329], %add3A_328 {strides = array<i32>} : memref<128xf32, #tpu.memory_space<vmem>>, vector<16xf32>,
    }
    %scan3A_80 = arith.constant 8 : i32
    %add3A_81 = arith.constant 0 : i32
    %add3A_82 = arith.addi %add3A_81, %add3A : i32
    %mul3A_83 = arith.constant 128 : i32
    %mul3A_84 = arith.muli %add3A_82, %mul3A_83 : i32
    "tpu.region"() ({
      %run_scoped3A = tpu.sem_alloc : memref<!tpu.dma_semaphore, #tpu.memory_space<semaphore_mem>>
      %dma_start3A_93 = tpu.memref_slice %arg6[%mul3A_84] : memref<12288xf32, #tpu.memory_space<hbm>> -> memref<128xf32, #tpu.memory_space<hbm>>
      %dma_start3A_94 = tpu.memref_slice %arg6[%mul3A_84] : memref<12288xf32, #tpu.memory_space<hbm>> -> memref<128xf32, #tpu.memory_space<hbm>>
      tpu.enqueue_dma source(%arg18 : memref<128xf32, #tpu.memory_space<vmem>>) target(%dma_start3A_94 : memref<128xf32, #tpu.memory_space<hbm>>) target_semaphore(%run_scoped3A : memref<!tpu.dma_semaphore, #tpu.memory_space<semaphore_mem>>)
      %dma_wait3A_95 = tpu.memref_slice %arg6[%mul3A_84] : memref<12288xf32, #tpu.memory_space<hbm>> -> memref<128xf32, #tpu.memory_space<hbm>>
      %dma_wait3A_96 = tpu.memref_slice %arg6[%mul3A_84] : memref<12288xf32, #tpu.memory_space<hbm>> -> memref<128xf32, #tpu.memory_space<hbm>>
      tpu.wait_dma2 semaphore(%run_scoped3A : memref<!tpu.dma_semaphore, #tpu.memory_space<semaphore_mem>>) src(%arg18 : memref<128xf32, #tpu.memory_space<vmem>>) dst(%dma_wait3A_96 : memref<128xf32, #tpu.memory_space<hbm>>)
      tpu.yield
    }) : () -> ()
    %add3A_85 = arith.constant 32 : i32
    %add3A_86 = arith.addi %add3A_85, %add3A : i32
    %mul3A_87 = arith.constant 128 : i32
    %mul3A_88 = arith.muli %add3A_86, %mul3A_87 : i32
    "tpu.region"() ({
      %run_scoped3A = tpu.sem_alloc : memref<!tpu.dma_semaphore, #tpu.memory_space<semaphore_mem>>
      %dma_start3A_93 = tpu.memref_slice %arg6[%mul3A_88] : memref<12288xf32, #tpu.memory_space<hbm>> -> memref<128xf32, #tpu.memory_space<hbm>>
      %dma_start3A_94 = tpu.memref_slice %arg6[%mul3A_88] : memref<12288xf32, #tpu.memory_space<hbm>> -> memref<128xf32, #tpu.memory_space<hbm>>
      tpu.enqueue_dma source(%arg19 : memref<128xf32, #tpu.memory_space<vmem>>) target(%dma_start3A_94 : memref<128xf32, #tpu.memory_space<hbm>>) target_semaphore(%run_scoped3A : memref<!tpu.dma_semaphore, #tpu.memory_space<semaphore_mem>>)
      %dma_wait3A_95 = tpu.memref_slice %arg6[%mul3A_88] : memref<12288xf32, #tpu.memory_space<hbm>> -> memref<128xf32, #tpu.memory_space<hbm>>
      %dma_wait3A_96 = tpu.memref_slice %arg6[%mul3A_88] : memref<12288xf32, #tpu.memory_space<hbm>> -> memref<128xf32, #tpu.memory_space<hbm>>
      tpu.wait_dma2 semaphore(%run_scoped3A : memref<!tpu.dma_semaphore, #tpu.memory_space<semaphore_mem>>) src(%arg19 : memref<128xf32, #tpu.memory_space<vmem>>) dst(%dma_wait3A_96 : memref<128xf32, #tpu.memory_space<hbm>>)
      tpu.yield
    }) : () -> ()
    %add3A_89 = arith.constant 64 : i32
    %add3A_90 = arith.addi %add3A_89, %add3A : i32
    %mul3A_91 = arith.constant 128 : i32
    %mul3A_92 = arith.muli %add3A_90, %mul3A_91 : i32
    "tpu.region"() ({
      %run_scoped3A = tpu.sem_alloc : memref<!tpu.dma_semaphore, #tpu.memory_space<semaphore_mem>>
      %dma_start3A_93 = tpu.memref_slice %arg6[%mul3A_92] : memref<12288xf32, #tpu.memory_space<hbm>> -> memref<128xf32, #tpu.memory_space<hbm>>
      %dma_start3A_94 = tpu.memref_slice %arg6[%mul3A_92] : memref<12288xf32, #tpu.memory_space<hbm>> -> memref<128xf32, #tpu.memory_space<hbm>>
      tpu.enqueue_dma source(%arg20 : memref<128xf32, #tpu.memory_space<vmem>>) target(%dma_start3A_94 : memref<128xf32, #tpu.memory_space<hbm>>) target_semaphore(%run_scoped3A : memref<!tpu.dma_semaphore, #tpu.memory_space<semaphore_mem>>)
      %dma_wait3A_95 = tpu.memref_slice %arg6[%mul3A_92] : memref<12288xf32, #tpu.memory_space<hbm>> -> memref<128xf32, #tpu.memory_space<hbm>>
      %dma_wait3A_96 = tpu.memref_slice %arg6[%mul3A_92] : memref<12288xf32, #tpu.memory_space<hbm>> -> memref<128xf32, #tpu.memory_space<hbm>>
      tpu.wait_dma2 semaphore(%run_scoped3A : memref<!tpu.dma_semaphore, #tpu.memory_space<semaphore_mem>>) src(%arg20 : memref<128xf32, #tpu.memory_space<vmem>>) dst(%dma_wait3A_96 : memref<128xf32, #tpu.memory_space<hbm>>)
      tpu.yield
    }) : () -> ()
    return
  }
}

module attributes {stable_mosaic.version = 14 : i64} {
  func.func @_tc_body(%arg0: memref<12288xf32, #tpu.memory_space<vmem>>, %arg1: memref<1x1xf32, #tpu.memory_space<smem>>) attributes {dimension_semantics = [], scalar_prefetch = 0 : i64, scratch_operands = 0 : i64, tpu.core_type = #tpu.core_type<tc>} {
    %get3A = arith.constant 0 : index
    %get3A_0 = vector.load %arg0[%get3A] : memref<12288xf32, #tpu.memory_space<vmem>>, vector<12288xf32>
    %reshape3A = vector.shape_cast %get3A_0 : vector<12288xf32> to vector<96x128xf32>
    %slice3A = vector.extract_strided_slice %reshape3A {offsets = [0, 0], sizes = [32, 128], strides = [1, 1]} : vector<96x128xf32> to vector<32x128xf32>
    %reduce_sum3A = arith.constant dense<0.000000e+00> : vector<128xf32>
    %reduce_sum3A_1 = vector.multi_reduction <add>, %slice3A, %reduce_sum3A [0] : vector<32x128xf32> to vector<128xf32>
    %mul3A = arith.mulf %reduce_sum3A_1, %reduce_sum3A_1 : vector<128xf32>
    %reduce_sum3A_2 = vector.shape_cast %mul3A : vector<128xf32> to vector<1x128xf32>
    %reduce_sum3A_3 = arith.constant dense<0.000000e+00> : vector<1xf32>
    %reduce_sum3A_4 = vector.multi_reduction <add>, %reduce_sum3A_2, %reduce_sum3A_3 [1] : vector<1x128xf32> to vector<1xf32>
    %reduce_sum3A_5 = vector.shape_cast %reduce_sum3A_4 : vector<1xf32> to vector<1x1xf32>
    %reduce_sum3A_6 = vector.extract %reduce_sum3A_5[0, 0] : f32 from vector<1x1xf32>
    %add3A = arith.constant 0.000000e+00 : f32
    %add3A_7 = arith.addf %add3A, %reduce_sum3A_6 : f32
    %slice3A_8 = vector.extract_strided_slice %reshape3A {offsets = [32, 0], sizes = [32, 128], strides = [1, 1]} : vector<96x128xf32> to vector<32x128xf32>
    %reduce_sum3A_9 = arith.constant dense<0.000000e+00> : vector<128xf32>
    %reduce_sum3A_10 = vector.multi_reduction <add>, %slice3A_8, %reduce_sum3A_9 [0] : vector<32x128xf32> to vector<128xf32>
    %mul3A_11 = arith.mulf %reduce_sum3A_10, %reduce_sum3A_10 : vector<128xf32>
    %reduce_sum3A_12 = vector.shape_cast %mul3A_11 : vector<128xf32> to vector<1x128xf32>
    %reduce_sum3A_13 = arith.constant dense<0.000000e+00> : vector<1xf32>
    %reduce_sum3A_14 = vector.multi_reduction <add>, %reduce_sum3A_12, %reduce_sum3A_13 [1] : vector<1x128xf32> to vector<1xf32>
    %reduce_sum3A_15 = vector.shape_cast %reduce_sum3A_14 : vector<1xf32> to vector<1x1xf32>
    %reduce_sum3A_16 = vector.extract %reduce_sum3A_15[0, 0] : f32 from vector<1x1xf32>
    %add3A_17 = arith.addf %add3A_7, %reduce_sum3A_16 : f32
    %slice3A_18 = vector.extract_strided_slice %reshape3A {offsets = [64, 0], sizes = [32, 128], strides = [1, 1]} : vector<96x128xf32> to vector<32x128xf32>
    %reduce_sum3A_19 = arith.constant dense<0.000000e+00> : vector<128xf32>
    %reduce_sum3A_20 = vector.multi_reduction <add>, %slice3A_18, %reduce_sum3A_19 [0] : vector<32x128xf32> to vector<128xf32>
    %mul3A_21 = arith.mulf %reduce_sum3A_20, %reduce_sum3A_20 : vector<128xf32>
    %reduce_sum3A_22 = vector.shape_cast %mul3A_21 : vector<128xf32> to vector<1x128xf32>
    %reduce_sum3A_23 = arith.constant dense<0.000000e+00> : vector<1xf32>
    %reduce_sum3A_24 = vector.multi_reduction <add>, %reduce_sum3A_22, %reduce_sum3A_23 [1] : vector<1x128xf32> to vector<1xf32>
    %reduce_sum3A_25 = vector.shape_cast %reduce_sum3A_24 : vector<1xf32> to vector<1x1xf32>
    %reduce_sum3A_26 = vector.extract %reduce_sum3A_25[0, 0] : f32 from vector<1x1xf32>
    %add3A_27 = arith.addf %add3A_17, %reduce_sum3A_26 : f32
    %mul3A_28 = arith.constant 3.33333332E-7 : f32
    %mul3A_29 = arith.mulf %add3A_27, %mul3A_28 : f32
    %swap3A = arith.constant 0 : index
    %swap3A_30 = arith.constant 0 : index
    %swap3A_31 = memref.load %arg1[%swap3A, %swap3A_30] : memref<1x1xf32, #tpu.memory_space<smem>>
    memref.store %mul3A_29, %arg1[%swap3A, %swap3A_30] : memref<1x1xf32, #tpu.memory_space<smem>>
    return
  }
}

</mosaic_0001>

<sc_bundles>
// kernel: kernel.4.cloned.1.call-start
scs
__scs_entry_jumppad:
0x0: {  	(pc) =	sbr.rel $0x88, $3  }
0x1: {  	(tag) =	ssettag $0x0;
	lr =	simm.s32 $0x1  }
0x2: {  	[smem:$0x3F9D] =	sst lr;
	_ =	strace $0xD0000000  }
0x3: {  	_ = 	snop  }
0x4: {  	_ = 	snop  }
0x5: {  	_ = 	snop  }
0x6: {  	_ = 	snop  }
0x7: {  	_ = 	snop  }
__scs_overlays_trampoline_lowered:
0x8: {  	[smem:$0x3FAC] =	sst s0  }
0x9: {  	[smem:$0x3FAD] =	sst s1  }
0xa: {  	[smem:$0x3FAE] =	sst s2  }
0xb: {  	[smem:$0x3FAF] =	sst s3  }
0xc: {  	[smem:$0x3FB0] =	sst s4  }
0xd: {  	[smem:$0x3FB1] =	sst s5  }
0xe: {  	[smem:$0x3FB2] =	sst s6  }
0xf: {  	[smem:$0x3FB3] =	sst s7  }
0x10: {  	[smem:$0x3FB4] =	sst s8  }
0x11: {  	[smem:$0x3FB5] =	sst s9;
	s0 =	simm.s32 @!p0 $0x0  }
0x12: {  	s1 =	sld [smem:$0x3F9B];
	s0 =	simm.s32 @p0 $0x1  }
0x13: {  	[smem:$0x3FB6] =	sst s0;
	s0 =	simm.s32 @!p1 $0x0  }
0x14: {  	s2 =	sld [smem:$0x3F9A];
	s0 =	simm.s32 @p1 $0x1  }
0x15: {  	[smem:$0x3FB7] =	sst s0;
	s0 =	simm.s32 @!p2 $0x0  }
0x16: {  	s3 =	sld [smem:$0x3FDB];
	s0 =	simm.s32 @p2 $0x1  }
0x17: {  	s4 =	simm.s32 $0x1BF5;
	[smem:$0x3FB9] =	sst s0  }
0x18: {  	s0 =	sld [smem:$0x3F9C];
	_ =	swait.ge [sflag:s4], $0x0  }
0x19: {  	s7 =	sld [smem:$0x3F9D]  }
0x1a: {  	s8 =	sadd.s32 $0xFFFFE003, lr  }
0x1b: {  	s9 =	sadd.s32 $0xFFFFFEF7, lr;
	s5 =	simm.s32 $0xFFFFFFFF;
	p2 =	slt.u32 s8, $0xFFFFF086  }
0x1c: {  	p1 =	slt.u32 s9, $0xF7A;
	s5 =	simm.s32 @!p2 $0x0  }
0x1d: {  	s5 =	simm.s32 @p1 $0x1;
	p0 =	seq.s32 s7, s2  }
0x1e: {  	s7 =	smul.u32 @!p0 $0xF7A, s2;
	p2 =	seq.s32 @!p0 s5, $0x0  }
0x1f: {  	s9 =	smul.u32 $0xF7A, s1;
	s8 =	simm.s32 @!p0 $0x1BF5;
	p2 =	por !p2, p0  }
0x20: {  	[sflag:s8] =	ssyncset.s32 @!p0 $0xFFFFF086;
	s6 =	sadd.s32 @!p0 s3, s7;
	s7 =	simm.s32 @!p0 $0x108  }
0x21: {  	s3 =	sadd.s32 s3, s9;
	s6 =	sadd.s32 @!p0 $0x88, s6;
	s7 =	simm.s32 @p2 $0x1082  }
0x22: {  	[simem:s7], [sflag:s8] =	dma.local @!p0 [hbm:s6], $0xF7A  }
0x23: {  	s9 =	sor.u32 $0xD0000000, s2;
	s6 =	simm.s32 $0x108;
	_ =	swait.ge @!p0 [sflag:s8], $0x0  }
0x24: {  	s3 =	sadd.s32 $0x88, s3;
	s6 =	simm.s32 @!p1 $0x1082;
	[sflag:s4] =	ssyncset.s32 $0xFFFFF086  }
0x25: {  	[simem:s6], [sflag:s4] =	dma.local [hbm:s3], $0xF7A  }
0x26: {  	[smem:$0x3F9D] =	sst s1;
	(tag) =	ssettag s2;
	_ =	strace s9  }
0x27: {  	s1 =	sld [smem:$0x3FAD]  }
0x28: {  	s2 =	sld [smem:$0x3FAE]  }
0x29: {  	s4 =	sld [smem:$0x3FB0]  }
0x2a: {  	p0 =	seq.s32 s5, $0x0;
	s5 =	sld [smem:$0x3FB1]  }
0x2b: {  	s6 =	sld [smem:$0x3FB2]  }
0x2c: {  	s7 =	sld [smem:$0x3FB3]  }
0x2d: {  	s3 =	simm.s32 $0x108;
	s8 =	sld [smem:$0x3FB4]  }
0x2e: {  	s3 =	simm.s32 @!p0 $0x1082;
	s9 =	sld [smem:$0x3FB5]  }
0x2f: {  	lr =	sadd.s32 s0, s3;
	s0 =	sld [smem:$0x3FAC]  }
0x30: {  	s3 =	sld [smem:$0x3FAF]  }
0x31: {  	[smem:$0x3FB8] =	sst s10  }
0x32: {  	s10 =	sld [smem:$0x3FB6];
	_ =	sdelay $0x3  }
0x33: {  	p0 =	seq.s32 s10, $0x1;
	s10 =	sld [smem:$0x3FB8];
	_ =	sdelay $0x3  }
0x34: {  	[smem:$0x3FB8] =	sst s10  }
0x35: {  	s10 =	sld [smem:$0x3FB7];
	_ =	sdelay $0x3  }
0x36: {  	p1 =	seq.s32 s10, $0x1;
	s10 =	sld [smem:$0x3FB8];
	_ =	sdelay $0x3  }
0x37: {  	[smem:$0x3FB8] =	sst s10  }
0x38: {  	s10 =	sld [smem:$0x3FB9]  }
0x39: {  	_ = 	snop;
	(pc) =	sbr.ind lr, $3  }
0x3a: {  	_ = 	snop  }
0x3b: {  	_ = 	snop  }
0x3c: {  	p2 =	seq.s32 s10, $0x1;
	s10 =	sld [smem:$0x3FB8]  }
0x3d: {  	_ =	shalt  }
0x3e: {  	_ =	shalt  }
0x3f: {  	_ =	shalt  }
0x40: {  	_ =	shalt  }
0x41: {  	_ =	shalt  }
0x42: {  	_ =	shalt  }
0x43: {  	_ =	shalt  }
0x44: {  	_ =	shalt  }
0x45: {  	_ =	shalt  }
0x46: {  	_ =	shalt  }
0x47: {  	_ =	shalt  }
0x48: {  	_ =	shalt  }
0x49: {  	_ =	shalt  }
0x4a: {  	_ =	shalt  }
0x4b: {  	_ =	shalt  }
0x4c: {  	_ =	shalt  }
0x4d: {  	_ =	shalt  }
0x4e: {  	_ =	shalt  }
0x4f: {  	_ =	shalt  }
0x50: {  	_ =	shalt  }
0x51: {  	_ =	shalt  }
0x52: {  	_ =	shalt  }
0x53: {  	_ =	shalt  }
0x54: {  	_ =	shalt  }
0x55: {  	_ =	shalt  }
0x56: {  	_ =	shalt  }
0x57: {  	_ =	shalt  }
0x58: {  	_ =	shalt  }
0x59: {  	_ =	shalt  }
0x5a: {  	_ =	shalt  }
0x5b: {  	_ =	shalt  }
0x5c: {  	_ =	shalt  }
0x5d: {  	_ =	shalt  }
0x5e: {  	_ =	shalt  }
0x5f: {  	_ =	shalt  }
0x60: {  	_ =	shalt  }
0x61: {  	_ =	shalt  }
0x62: {  	_ =	shalt  }
0x63: {  	_ =	shalt  }
0x64: {  	_ =	shalt  }
0x65: {  	_ =	shalt  }
0x66: {  	_ =	shalt  }
0x67: {  	_ =	shalt  }
0x68: {  	_ =	shalt  }
0x69: {  	_ =	shalt  }
0x6a: {  	_ =	shalt  }
0x6b: {  	_ =	shalt  }
0x6c: {  	_ =	shalt  }
0x6d: {  	_ =	shalt  }
0x6e: {  	_ =	shalt  }
0x6f: {  	_ =	shalt  }
0x70: {  	_ =	shalt  }
0x71: {  	_ =	shalt  }
0x72: {  	_ =	shalt  }
0x73: {  	_ =	shalt  }
0x74: {  	_ =	shalt  }
0x75: {  	_ =	shalt  }
0x76: {  	_ =	shalt  }
0x77: {  	_ =	shalt  }
0x78: {  	_ =	shalt  }
0x79: {  	_ =	shalt  }
0x7a: {  	_ =	shalt  }
0x7b: {  	_ =	shalt  }
0x7c: {  	_ =	shalt  }
0x7d: {  	_ =	shalt  }
0x7e: {  	_ =	shalt  }
0x7f: {  	_ =	shalt  }
0x80: {  	_ =	shalt  }
0x81: {  	_ =	shalt  }
0x82: {  	_ =	shalt  }
0x83: {  	_ =	shalt  }
0x84: {  	_ =	shalt  }
0x85: {  	_ =	shalt  }
0x86: {  	_ =	shalt  }
0x87: {  	_ =	shalt  }
.Lfunc_end0:
.L_simem_size_0:
called_computation_lowered:
.L_overlay_start_0:
0x88: {  	s2 =	sld [smem:$0x3FD9]  }
0x89: {  	s3 =	sld [smem:$0x3FFE];
	_ =	sdelay $0x1  }
0x8a: {  	s1 =	srdreg.scid  }
0x8b: {  	s0 =	sand.u32 $0x1, s1  }
0x8c: {  	s17 =	sshll.u32 s0, $0xA;
	s2 =	sadd.s32 s3, s2  }
0x8d: {  	s2 =	sadd.s32 s2, s17  }
0x8e: {  	[smem:$0x3FC4] =	sst s2  }
0x8f: {  	_ = 	snop  }
0x90: {  	s2 =	sld [smem:$0x3FC7]  }
0x91: {  	s18 =	sld [smem:$0x3FC6];
	(tm) =	ssettm $0x1  }
0x92: {  	s4 =	sld [smem:$0x3FFB];
	_ =	sdelay $0x3  }
0x93: {  	_ =	strace s4  }
0x94: {  	s4 =	sld [smem:$0x3FFC];
	_ =	sdelay $0x3  }
0x95: {  	_ =	strace s4  }
0x96: {  	s4 =	sld [smem:$0x3FFD];
	_ =	sdelay $0x3  }
0x97: {  	_ =	strace s4  }
0x98: {  	_ =	strace $0x8FFFFFFF  }
0x99: {  	s19 =	sld [smem:$0x3FDB];
	_ =	sdelay $0x1  }
0x9a: {  	s5 =	simm.s32 $_scs_section_size  }
0x9b: {  	s6 =	simm.s32 $_size__tile_overlayer_lowered;
	s7 =	simm.s32 $_tile_overlayer_lowered  }
0x9c: {  	s22 =	simm.s32 $0x1BFF;
	s21 =	sshll.u32 s7, $0x1;
	s4 =	sadd.s32 s5, s19  }
0x9d: {  	s8 =	simm.s32 $0x0;
	s20 =	sshll.u32 s6, $0x1;
	s6 =	sadd.s32 s21, s4  }
0x9e: {  	[timem:s8], [sflag:s22] =	dma.local [hbm:s6], s20  }
0x9f: {  	_ =	swait.ge [sflag:s22], s20  }
0xa0: {  	s5 =	ssub.s32 $0x0, s20;
	[sflag:s22] =	ssyncset.done $0x0  }
0xa1: {  	[sflag:s22] =	ssyncadd.s32 s5;
	_ =	sdelay $0x1  }
0xa2: {  	s23 =	simm.s32 $0x1B8B  }
0xa3: {  	_ =	swait.ge [sflag:s23], $0x1  }
0xa4: {  	[sflag:s23] =	ssyncset.done $0x0  }
0xa5: {  	s25 =	simm.s32 $0x1B8E;
	s24 =	sld [smem:$0x3FFE];
	[sflag:s23] =	ssyncadd.s32 $0xFFFFFFFF  }
0xa6: {  	s26 =	simm.s32 $execute0_lowered;
	[smem:$0x3FD2] =	sst s25  }
0xa7: {  	s6 =	sshll.u32 s26, $0x1;
	_ =	strace $0x80000046;
	[dreg:$0x1] =	wrdreg $0xFFFFFFFF  }
0xa8: {  	s28 =	simm.s32 $_size_execute0_lowered;
	s4 =	sadd.s32 s4, s6;
	[dreg:$0x0] =	wrdreg $0x0  }
0xa9: {  	s6 =	sshll.u32 s28, $0x1;
	[dreg:$0x2] =	wrdreg s4  }
0xaa: {  	[dreg:$0x3] =	wrdreg s6  }
0xab: {  	[dreg:$0x4] =	wrdreg $0xC0  }
0xac: {  	_ =	task [dreg:s8], $0x5FFFF  }
0xad: {  	[dreg:$0x1] =	wrdreg $0xFFFFFFFF  }
0xae: {  	[dreg:$0x0] =	wrdreg $0x60  }
0xaf: {  	[dreg:$0x2] =	wrdreg s24  }
0xb0: {  	[dreg:$0x3] =	wrdreg s2  }
0xb1: {  	[dreg:$0x4] =	wrdreg s18  }
0xb2: {  	[dreg:$0x5] =	wrdreg $0x9  }
0xb3: {  	_ =	task.clear_ibuf [dreg:s8], $0x6FFFF;
	_ =	strace $0x90000046  }
0xb4: {  	s29 =	simm.s32 $0x9;
	_ =	strace $0x80000048  }
0xb5: {  	_ =	swait.ge [sflag:s29], $0x1  }
0xb6: {  	[sflag:s29] =	ssyncadd.s32 $0xFFFFFFFF  }
0xb7: {  	_ =	strace $0x90000048  }
0xb8: {  	_ =	sfence  }
0xb9: {  	s30 =	sld [smem:$0x0];
	_ =	sdelay $0x2  }
0xba: {  	s31 =	sshll.u32 s1, $0xD;
	s1 =	sshrl.u32 s1, $0x2  }
0xbb: {  	s3 =	sand.u32 $0x4000, s31;
	s1 =	sadd.s32 s1, s30  }
0xbc: {  	s0 =	sor.u32 s3, s0;
	s1 =	sshll.u32 s1, $0x11  }
0xbd: {  	s0 =	sor.u32 s1, s0  }
0xbe: {  	s0 =	sadd.s32 $0x8F2B, s0  }
0xbf: {  	[sflag:s0] =	ssyncadd.remote.s32 $0x1  }
0xc0: {  	_ =	sfence.sel $0xFFFF  }
0xc1: {  	[dreg:$0x0] =	wrdreg $0xFFFFFFFF;
	(pc) =	sbr.abs _section_cstart, $3  }
0xc2: {  	[dreg:$0x1] =	wrdreg $0xFFFFFFFF  }
0xc3: {  	_ =	task.clear_ibuf [dreg:s8], $0x2FFFF;
	_ =	strace $0x9FFFFFFF  }
0xc4: {  	(tm) =	ssettm $0x7FFFFFFF  }
0xc5: {  	_ =	shalt  }
tec
execute0_lowered:
.L_overlay_start_1:
0x0: {  	(tag) =	ssettag $0x1  }
0x1: {  	s0 =	rddreg [dreg:$0x0]  }
0x2: {  	s1 =	rddreg [dreg:$0x1];
	s2 =	srdreg.scid  }
0x3: {  	s19 =	stileid.u32;
	s10 =	rddreg [dreg:$0x2];
	s29 =	simm.s32 $0x7D80  }
0x4: {  	s30 =	simm.s32 $0x2;
	s13 =	sand.u32 $0x1, s2;
	s16 =	smul.u32 $0x1880, s19  }
0x5: {  	s3 =	sshll.u32 s19, $0x1;
	s2 =	simm.s32 $0x0;
	s23 =	smul.u32 $0x6200, s19  }
0x6: {  	s5 =	sadd.s32 $0x800, s0;
	s8 =	sadd.s32 $0x9C00, s0;
	s20 =	smul.u32 $0xC40, s13  }
0x7: {  	s3 =	sor.u32 s13, s3;
	[smem:$0x7FF] =	sst s2;
	s21 =	smul.u32 $0x3100, s13  }
0x8: {  	s4 =	ssub.s32 $0x2, s13;
	s11 =	smul.u32 $0xC40, s3;
	s3 =	sshll.u32 s3, $0x4  }
0x9: {  	_ =	strace $0x80000047;
	s18 =	sshrl.u32 s4, $0x1;
	s0 =	sadd.s32 s3, s0  }
0xa: {  	s15 =	ssub.s32 s4, s18;
	s18 =	sshrl.u32 s21, $0x2;
	s12 =	smin.u32 s11, $0x17A60  }
0xb: {  	s13 =	sadd.s32 $0x13400, s0;
	s24 =	sadd.s32 $0x5780, s18;
	s25 =	sadd.s32 $0x4B00, s18  }
0xc: {  	s26 =	sadd.s32 $0x2580, s18;
	s21 =	sadd.s32 $0x3200, s18;
	s28 =	sadd.s32 $0x1900, s18  }
0xd: {  	s31 =	sadd.s32 $0x3E80, s18;
	s14 =	sshrl.u32 s12, $0x3;
	s17 =	ssub.s32 s11, s12  }
0xe: {  	s11 =	sadd.s32 $0x13000, s0;
	s12 =	sadd.s32 $0x13200, s0;
	v0 =	vmov s24;
	s24 =	simm.s32 $0x1  }
0xf: {  	v1 =	vmov s25;
	v3 =	vmov s26;
	s25 =	simm.s32 $0x6400;
	s26 =	simm.s32 $0x6C80;
	v6 =	vmov s28;
	s28 =	simm.s32 $0x7500  }
0x10: {  	v7 =	vmov s31;
	s31 =	simm.s32 $0x7E00;
	s7 =	sadd.s32 $0x30D4, s14;
	s9 =	sadd.s32 $0x61A8, s14  }
0x11: {  	s3 =	sadd.s32 s5, s14;
	s6 =	sadd.s32 s8, s14;
	s10 =	sadd.s32 s10, s14  }
0x12: {  	s4 =	sadd.s32 s5, s7;
	s5 =	sadd.s32 s5, s9;
	s7 =	sadd.s32 s8, s7  }
0x13: {  	s8 =	sadd.s32 s8, s9;
	s9 =	sadd.s32 s1, s14;
	s1 =	sadd.s32 s20, s16  }
0x14: {  	p0 =	slt.u32 s17, $0xC40;
	s14 =	smax.u32 s15, $0x1;
	s22 =	smin.u32 s1, $0x17A60  }
0x15: {  	v2 =	vmov s18;
	s20 =	sadd.s32 $0xC80, s18;
	s1 =	ssub.s32 s1, s22;
	s0 =	sshll.u32 s22, $0x2  }
0x16: {  	v9 =	vlaneseq.u32;
	v8 =	vimm.f32 $0.0e+00;
	s22 =	simm.s32 $0x4B00;
	s15 =	sadd.s32 $0xFFFFFFE0, s1;
	s16 =	ssub.s32 s23, s0  }
0x17: {  	v9 =	vmul.u32 $0x81, v9;
	v5 =	vmov s21;
	v4 =	vmov s20;
	s23 =	simm.s32 $0x5780;
	s1 =	simm.s32 $0x7E80;
	s0 =	simm.s32 $0x0  }
.LBB2_1:
0x18: {  	[tilespmem:s2], [sflag:$0x1] =	stream.linear.gather [hbm4b:s3+s2], $0xC40, $0x38;
	[tilespmem:$0x7F00] =	vst v63  }
0x19: {  	s17 =	simm.s32 $0xC80  }
0x1a: {  	[tilespmem:s17], [sflag:$0x1] =	stream.linear.gather [hbm4b:s4+s2], $0xC40, $0x38;
	[tilespmem:$0x7F00] =	vst v63  }
0x1b: {  	s18 =	simm.s32 $0x1900  }
0x1c: {  	[tilespmem:s18], [sflag:$0x1] =	stream.linear.gather [hbm4b:s5+s2], $0xC40, $0x38;
	[tilespmem:$0x7F00] =	vst v63  }
0x1d: {  	s19 =	simm.s32 $0x2580  }
0x1e: {  	[tilespmem:s19], [sflag:$0x1] =	stream.linear.gather [hbm4b:s6+s2], $0xC40, $0x38;
	[tilespmem:$0x7F00] =	vst v63  }
0x1f: {  	s20 =	simm.s32 $0x3200  }
0x20: {  	[tilespmem:s20], [sflag:$0x1] =	stream.linear.gather [hbm4b:s7+s2], $0xC40, $0x38;
	[tilespmem:$0x7F00] =	vst v63  }
0x21: {  	s21 =	simm.s32 $0x3E80  }
0x22: {  	[tilespmem:s21], [sflag:$0x1] =	stream.linear.gather [hbm4b:s8+s2], $0xC40, $0x38;
	[tilespmem:$0x7F00] =	vst v63  }
0x23: {  	_ = 	snop  }
0x24: {  	[tilespmem:s22], [sflag:$0x1] =	stream.linear.gather [hbm4b:s9+s2], $0xC40, $0x38;
	[tilespmem:$0x7F00] =	vst v63  }
0x25: {  	s17 =	simm.s32 $0x40;
	s18 =	simm.s32 $0x0  }
0x26: {  	[tilespmem:s23], [sflag:$0x1] =	stream.linear.gather [hbm4b:s10+s2], $0xC40, $0x38;
	[tilespmem:$0x7F00] =	vst v63  }
.LBB2_2:
0x27: {  	p1 =	sne.s32 s17, $0x2000;
	[tilespmem:s18+$0x7500] =	vst v8;
	s19 =	smov.u32 s17;
	s17 =	sadd.s32 $0x40, s17  }
.Ltmp0:
0x28: {  	[tilespmem:s18+$0x6400] =	vst v8;
	(pc) =	sbr.rel @p1 .LBB2_2-.Ltmp0, $2  }
0x29: {  	[tilespmem:s18+$0x6C80] =	vst v8;
	_ =	sdelay $0x2  }
0x2a: {  	s18 =	sshra.s32 s19, $0x2  }
0x2b: {  	[tilespmem:s18+$0x7500] =	vst v8  }
0x2c: {  	[tilespmem:s18+$0x6400] =	vst v8  }
0x2d: {  	[tilespmem:s18+$0x6C80] =	vst v8  }
0x2e: {  	_ =	swait.ge [sflag:s24], $0xC40  }
0x2f: {  	[sflag:s24] =	ssyncset.done $0x0  }
0x30: {  	[sflag:s24] =	ssyncadd.s32 $0xFFFFF3C0  }
0x31: {  	_ =	swait.ge [sflag:s24], $0xC40  }
0x32: {  	[sflag:s24] =	ssyncset.done $0x0  }
0x33: {  	[sflag:s24] =	ssyncadd.s32 $0xFFFFF3C0  }
0x34: {  	_ =	swait.ge [sflag:s24], $0xC40  }
0x35: {  	[sflag:s24] =	ssyncset.done $0x0  }
0x36: {  	[sflag:s24] =	ssyncadd.s32 $0xFFFFF3C0  }
0x37: {  	_ =	swait.ge [sflag:s24], $0xC40  }
0x38: {  	[sflag:s24] =	ssyncset.done $0x0  }
0x39: {  	[sflag:s24] =	ssyncadd.s32 $0xFFFFF3C0  }
0x3a: {  	_ =	swait.ge [sflag:s24], $0xC40  }
0x3b: {  	[sflag:s24] =	ssyncset.done $0x0  }
0x3c: {  	[sflag:s24] =	ssyncadd.s32 $0xFFFFF3C0  }
0x3d: {  	_ =	swait.ge [sflag:s24], $0xC40  }
0x3e: {  	[sflag:s24] =	ssyncset.done $0x0  }
0x3f: {  	[sflag:s24] =	ssyncadd.s32 $0xFFFFF3C0  }
0x40: {  	_ =	swait.ge [sflag:s24], $0xC40  }
.Ltmp1:
0x41: {  	[sflag:s24] =	ssyncset.done $0x0;
	(pc) =	sbr.rel @!p0 .LBB2_13-.Ltmp1, $4  }
0x42: {  	[sflag:s24] =	ssyncadd.s32 $0xFFFFF3C0  }
0x43: {  	_ =	swait.ge [sflag:s24], $0xC40  }
0x44: {  	[sflag:s24] =	ssyncset.done $0x0  }
0x45: {  	[sflag:s24] =	ssyncadd.s32 $0xFFFFF3C0  }
0x46: {  	_ =	sdelay $0x2  }
0x47: {  	s19 =	sshra.s32 s16, $0x2  }
0x48: {  	v12 =	vld.idx.msk [tilespmem:v2+s19+$0x10 ss:$0x1], $0xffff  }
0x49: {  	v10 =	vld.idx.msk [tilespmem:v0+s19+$0x10 ss:$0x1], $0xffff  }
0x4a: {  	v14 =	vld.idx.msk [tilespmem:v3+s19+$0x10 ss:$0x1], $0xffff;
	_ =	sdelay $0x1  }
0x4b: {  	v11 =	vld.idx.msk [tilespmem:v1+s19+$0x10 ss:$0x1], $0xffff  }
0x4c: {  	v15 =	vld.idx.msk [tilespmem:v2+s19+$0x0 ss:$0x1], $0xffff  }
0x4d: {  	v16 =	vld.idx.msk [tilespmem:v3+s19+$0x0 ss:$0x1], $0xffff;
	v13 =	vadd.s32 v9, v10  }
0x4e: {  	s20 =	sadd.s32 $0x20, s15;
	v10 =	vld.idx.msk [tilespmem:v1+s19+$0x0 ss:$0x1], $0xffff;
	v12 =	vsub.f32 v12, v14  }
0x4f: {  	p3 =	slt.u32 s20, $0xC20;
	v14 =	vld.idx.msk [tilespmem:v0+s19+$0x0 ss:$0x1], $0xffff  }
.Ltmp2:
0x50: {  	v12 =	vmul.f32 v12, v11;
	(pc) =	sbr.rel @!p3 .LBB2_5-.Ltmp2, $4  }
0x51: {  	_ = 	snop  }
0x52: {  	v15 =	vsub.f32 v15, v16;
	[tilespmem:v13+s25+$0x0] =	vst.idx.add.f32.msk $0xffff, v12  }
0x53: {  	v17 =	vld.idx.msk [tilespmem:v4+s19+$0x10 ss:$0x1], $0xffff  }
0x54: {  	s17 =	sadd.s32 $0x80, s16;
	p1 =	por $0x0, $0x0;
	p2 =	por $0x0, $0x0;
	v12 =	vadd.s32 v9, v14;
	v20 =	vmul.f32 v15, v10;
	v18 =	vld.idx.msk [tilespmem:v5+s19+$0x10 ss:$0x1], $0xffff  }
0x55: {  	_ =	sdelay $0x3  }
0x56: {  	s18 =	sshra.s32 s17, $0x2;
	[tilespmem:v12+s25+$0x0] =	vst.idx.add.f32.msk $0xffff, v20  }
0x57: {  	v21 =	vld.idx.msk [tilespmem:v1+s18+$0x10 ss:$0x1], $0xffff  }
0x58: {  	v15 =	vld.idx.msk [tilespmem:v2+s18+$0x10 ss:$0x1], $0xffff  }
0x59: {  	v16 =	vld.idx.msk [tilespmem:v0+s18+$0x10 ss:$0x1], $0xffff;
	v14 =	vsub.f32 v17, v18  }
0x5a: {  	v20 =	vld.idx.msk [tilespmem:v2+s18+$0x0 ss:$0x1], $0xffff  }
0x5b: {  	v23 =	vld.idx.msk [tilespmem:v3+s18+$0x0 ss:$0x1], $0xffff;
	v14 =	vmul.f32 v14, v11  }
0x5c: {  	v17 =	vld.idx.msk [tilespmem:v3+s18+$0x10 ss:$0x1], $0xffff  }
0x5d: {  	[tilespmem:v13+s26+$0x0] =	vst.idx.add.f32.msk $0xffff, v14  }
0x5e: {  	v18 =	vld.idx.msk [tilespmem:v6+s19+$0x10 ss:$0x1], $0xffff  }
0x5f: {  	v19 =	vld.idx.msk [tilespmem:v7+s19+$0x10 ss:$0x1], $0xffff  }
0x60: {  	v24 =	vld.idx.msk [tilespmem:v5+s19+$0x0 ss:$0x1], $0xffff;
	v22 =	vadd.s32 v9, v16  }
0x61: {  	v16 =	vld.idx.msk [tilespmem:v4+s19+$0x0 ss:$0x1], $0xffff;
	v15 =	vsub.f32 v15, v17  }
0x62: {  	s20 =	sadd.s32 $0x20, s20;
	v25 =	vld.idx.msk [tilespmem:v0+s18+$0x0 ss:$0x1], $0xffff  }
0x63: {  	p3 =	slt.u32 s20, $0xC20;
	v14 =	vld.idx.msk [tilespmem:v1+s18+$0x0 ss:$0x1], $0xffff;
	v15 =	vmul.f32 v15, v21  }
.Ltmp3:
0x64: {  	v18 =	vsub.f32 v18, v19;
	(pc) =	sbr.rel @!p3 .LBB2_7-.Ltmp3, $4  }
0x65: {  	[tilespmem:v22+s25+$0x0] =	vst.idx.add.f32.msk $0xffff, v15  }
0x66: {  	v15 =	vsub.f32 v20, v23;
	v17 =	vld.idx.msk [tilespmem:v4+s18+$0x10 ss:$0x1], $0xffff;
	v19 =	vsub.f32 v16, v24;
	v11 =	vmul.f32 v18, v11  }
0x67: {  	v16 =	vadd.s32 v9, v25;
	v18 =	vld.idx.msk [tilespmem:v5+s18+$0x10 ss:$0x1], $0xffff  }
0x68: {  	s21 =	sadd.s32 $0x80, s17;
	p1 =	por $0x1, $0x1;
	v20 =	vmul.f32 v15, v14;
	v15 =	vmul.f32 v19, v10;
	[tilespmem:v13+s28+$0x0] =	vst.idx.add.f32.msk $0xffff, v11  }
0x69: {  	_ =	sdelay $0x3  }
0x6a: {  	s17 =	sshra.s32 s21, $0x2;
	[tilespmem:v16+s25+$0x0] =	vst.idx.add.f32.msk $0xffff, v20  }
0x6b: {  	v11 =	vld.idx.msk [tilespmem:v1+s17+$0x10 ss:$0x1], $0xffff;
	v13 =	vsub.f32 v17, v18  }
0x6c: {  	v20 =	vld.idx.msk [tilespmem:v3+s17+$0x10 ss:$0x1], $0xffff  }
0x6d: {  	v17 =	vld.idx.msk [tilespmem:v2+s17+$0x10 ss:$0x1], $0xffff;
	v13 =	vmul.f32 v13, v21  }
0x6e: {  	v18 =	vld.idx.msk [tilespmem:v0+s17+$0x10 ss:$0x1], $0xffff  }
0x6f: {  	[tilespmem:v22+s26+$0x0] =	vst.idx.add.f32.msk $0xffff, v13  }
0x70: {  	v23 =	vld.idx.msk [tilespmem:v6+s18+$0x10 ss:$0x1], $0xffff  }
0x71: {  	v24 =	vld.idx.msk [tilespmem:v7+s18+$0x10 ss:$0x1], $0xffff  }
0x72: {  	v25 =	vld.idx.msk [tilespmem:v2+s17+$0x0 ss:$0x1], $0xffff  }
0x73: {  	v26 =	vld.idx.msk [tilespmem:v3+s17+$0x0 ss:$0x1], $0xffff;
	v13 =	vadd.s32 v9, v18  }
0x74: {  	v19 =	vld.idx.msk [tilespmem:v1+s17+$0x0 ss:$0x1], $0xffff;
	v17 =	vsub.f32 v17, v20  }
0x75: {  	v20 =	vld.idx.msk [tilespmem:v0+s17+$0x0 ss:$0x1], $0xffff  }
0x76: {  	v27 =	vld.idx.msk [tilespmem:v4+s18+$0x0 ss:$0x1], $0xffff;
	v17 =	vmul.f32 v17, v11;
	v18 =	vsub.f32 v23, v24  }
0x77: {  	v28 =	vld.idx.msk [tilespmem:v5+s18+$0x0 ss:$0x1], $0xffff  }
0x78: {  	s20 =	sadd.s32 $0x20, s20;
	[tilespmem:v13+s25+$0x0] =	vst.idx.add.f32.msk $0xffff, v17;
	v21 =	vmul.f32 v18, v21  }
0x79: {  	p3 =	slt.u32 s20, $0xC20;
	v17 =	vld.idx.msk [tilespmem:v4+s17+$0x10 ss:$0x1], $0xffff  }
.Ltmp4:
0x7a: {  	v24 =	vadd.s32 v9, v20;
	[tilespmem:v22+s28+$0x0] =	vst.idx.add.f32.msk $0xffff, v21;
	v22 =	vsub.f32 v25, v26;
	(pc) =	sbr.rel @!p3 .LBB2_9-.Ltmp4, $4  }
0x7b: {  	v18 =	vld.idx.msk [tilespmem:v5+s17+$0x10 ss:$0x1], $0xffff  }
0x7c: {  	[tilespmem:v12+s26+$0x0] =	vst.idx.add.f32.msk $0xffff, v15;
	v15 =	vsub.f32 v27, v28  }
0x7d: {  	v23 =	vld.idx.msk [tilespmem:v7+s19+$0x0 ss:$0x1], $0xffff;
	v20 =	vmul.f32 v22, v19  }
0x7e: {  	p2 =	por $0x1, $0x1;
	v15 =	vmul.f32 v15, v14;
	v21 =	vld.idx.msk [tilespmem:v6+s19+$0x0 ss:$0x1], $0xffff;
	s19 =	sadd.s32 $0x80, s21;
	v22 =	vmov v24  }
.LBB2_10:
0x7f: {  	s21 =	sshra.s32 s19, $0x2;
	[tilespmem:v24+s25+$0x0] =	vst.idx.add.f32.msk $0xffff, v20  }
0x80: {  	v17 =	vsub.f32 v17, v18;
	v20 =	vld.idx.msk [tilespmem:v1+s21+$0x10 ss:$0x1], $0xffff  }
0x81: {  	v18 =	vld.idx.msk [tilespmem:v2+s21+$0x10 ss:$0x1], $0xffff  }
0x82: {  	v17 =	vmul.f32 v17, v11;
	v24 =	vld.idx.msk [tilespmem:v0+s21+$0x10 ss:$0x1], $0xffff  }
0x83: {  	v21 =	vsub.f32 v21, v23;
	v25 =	vld.idx.msk [tilespmem:v3+s21+$0x10 ss:$0x1], $0xffff  }
0x84: {  	s20 =	sadd.s32 $0x20, s20;
	[tilespmem:v13+s26+$0x0] =	vst.idx.add.f32.msk $0xffff, v17  }
0x85: {  	p3 =	slt.u32 s20, $0xC20;
	v26 =	vmul.f32 v21, v10;
	v10 =	vmov v14;
	v14 =	vmov v19;
	v17 =	vld.idx.msk [tilespmem:v6+s17+$0x10 ss:$0x1], $0xffff  }
0x86: {  	v21 =	vld.idx.msk [tilespmem:v7+s17+$0x10 ss:$0x1], $0xffff  }
0x87: {  	v23 =	vld.idx.msk [tilespmem:v2+s21+$0x0 ss:$0x1], $0xffff  }
0x88: {  	v28 =	vadd.s32 v9, v24;
	v27 =	vld.idx.msk [tilespmem:v3+s21+$0x0 ss:$0x1], $0xffff  }
0x89: {  	v18 =	vsub.f32 v18, v25;
	v19 =	vld.idx.msk [tilespmem:v1+s21+$0x0 ss:$0x1], $0xffff  }
0x8a: {  	v24 =	vld.idx.msk [tilespmem:v0+s21+$0x0 ss:$0x1], $0xffff  }
0x8b: {  	v18 =	vmul.f32 v18, v20;
	v25 =	vld.idx.msk [tilespmem:v4+s17+$0x0 ss:$0x1], $0xffff  }
0x8c: {  	v21 =	vsub.f32 v17, v21;
	v29 =	vld.idx.msk [tilespmem:v5+s17+$0x0 ss:$0x1], $0xffff  }
0x8d: {  	[tilespmem:v28+s25+$0x0] =	vst.idx.add.f32.msk $0xffff, v18  }
0x8e: {  	v23 =	vsub.f32 v23, v27;
	v21 =	vmul.f32 v21, v11;
	v11 =	vmov v20;
	v17 =	vld.idx.msk [tilespmem:v4+s21+$0x10 ss:$0x1], $0xffff  }
0x8f: {  	v18 =	vld.idx.msk [tilespmem:v5+s21+$0x10 ss:$0x1], $0xffff  }
.Ltmp5:
0x90: {  	v24 =	vadd.s32 v9, v24;
	v20 =	vmul.f32 v23, v19;
	[tilespmem:v13+s28+$0x0] =	vst.idx.add.f32.msk $0xffff, v21;
	v13 =	vmov v28;
	(pc) =	sbr.rel @p3 .LBB2_10-.Ltmp5, $4  }
0x91: {  	[tilespmem:v16+s26+$0x0] =	vst.idx.add.f32.msk $0xffff, v15  }
0x92: {  	v15 =	vsub.f32 v25, v29;
	v21 =	vld.idx.msk [tilespmem:v6+s18+$0x0 ss:$0x1], $0xffff  }
0x93: {  	v23 =	vld.idx.msk [tilespmem:v7+s18+$0x0 ss:$0x1], $0xffff;
	s18 =	smov.u32 s17;
	s17 =	smov.u32 s21  }
0x94: {  	s19 =	sadd.s32 $0x80, s19;
	v15 =	vmul.f32 v15, v14;
	[tilespmem:v12+s28+$0x0] =	vst.idx.add.f32.msk $0xffff, v26;
	v12 =	vmovc v16;
	v16 =	vmov v22;
	v22 =	vmov v24  }
0x95: {  	v25 =	vmov v10  }
0x96: {  	v27 =	vmovc v12;
	v26 =	vmovc v14;
	v10 =	vmov v19;
	v19 =	vmov v16;
	s19 =	smov.u32 s18;
	v12 =	vmov v22  }
.LBB2_12:
0x97: {  	_ =	sdelay $0x3  }
0x98: {  	[tilespmem:v24+s25+$0x0] =	vst.idx.add.f32.msk $0xffff, v20  }
0x99: {  	v16 =	vld.idx.msk [tilespmem:v4+s17+$0x0 ss:$0x1], $0xffff  }
0x9a: {  	v62 =	vld.idx.msk [tilespmem:v5+s17+$0x0 ss:$0x1], $0xffff;
	_ =	sdelay $0x1  }
0x9b: {  	v14 =	vsub.f32 v17, v18  }
0x9c: {  	[tilespmem:v19+s26+$0x0] =	vst.idx.add.f32.msk @p1 $0xffff, v15  }
0x9d: {  	v15 =	vld.idx.msk @p1 [tilespmem:v6+s19+$0x0 ss:$0x1], $0xffff;
	v14 =	vmul.f32 v14, v11  }
0x9e: {  	v17 =	vld.idx.msk @p1 [tilespmem:v7+s19+$0x0 ss:$0x1], $0xffff;
	v16 =	vsub.f32 v16, v62  }
0x9f: {  	[tilespmem:v13+s26+$0x0] =	vst.idx.add.f32.msk $0xffff, v14  }
0xa0: {  	v14 =	vld.idx.msk [tilespmem:v6+s17+$0x10 ss:$0x1], $0xffff;
	v16 =	vmul.f32 v16, v10  }
0xa1: {  	v63 =	vld.idx.msk [tilespmem:v7+s17+$0x10 ss:$0x1], $0xffff  }
0xa2: {  	[tilespmem:v12+s26+$0x0] =	vst.idx.add.f32.msk $0xffff, v16  }
0xa3: {  	v16 =	vld.idx.msk [tilespmem:v6+s17+$0x0 ss:$0x1], $0xffff  }
0xa4: {  	v20 =	vld.idx.msk [tilespmem:v7+s17+$0x0 ss:$0x1], $0xffff;
	_ =	sdelay $0x1  }
0xa5: {  	v18 =	vmov @p1 v19;
	v21 =	vsub.f32 @p2 v21, v23;
	v14 =	vsub.f32 v14, v63  }
0xa6: {  	v18 =	vpsel p1, v18, v0;
	v15 =	vpsel p1, v15, v0;
	v17 =	vpsel p1, v17, v0  }
0xa7: {  	v19 =	vmov @p1 v26;
	v11 =	vmul.f32 v14, v11;
	v14 =	vsub.f32 @p1 v15, v17  }
0xa8: {  	v15 =	vmul.f32 @p2 v21, v25;
	v17 =	vpsel p1, v19, v0;
	v16 =	vsub.f32 v16, v20  }
0xa9: {  	[tilespmem:v13+s28+$0x0] =	vst.idx.add.f32.msk $0xffff, v11;
	v11 =	vmul.f32 @p1 v14, v17  }
0xaa: {  	[tilespmem:v27+s28+$0x0] =	vst.idx.add.f32.msk @p2 $0xffff, v15;
	v10 =	vmul.f32 v16, v10  }
0xab: {  	[tilespmem:v18+s28+$0x0] =	vst.idx.add.f32.msk @p1 $0xffff, v11  }
0xac: {  	[tilespmem:v12+s28+$0x0] =	vst.idx.add.f32.msk $0xffff, v10  }
.LBB2_13:
0xad: {  	s17 =	simm.s32 $0x0  }
0xae: {  	v10 =	vld [tilespmem:s17+$0x7500]  }
0xaf: {  	v11 =	vld [tilespmem:s17+$0x7581]  }
0xb0: {  	v12 =	vld [tilespmem:s17+$0x6400]  }
0xb1: {  	v13 =	vld [tilespmem:s17+$0x7602]  }
0xb2: {  	v14 =	vld [tilespmem:s17+$0x6481]  }
0xb3: {  	v15 =	vld [tilespmem:s17+$0x7683]  }
0xb4: {  	v16 =	vld [tilespmem:s17+$0x6C80]  }
0xb5: {  	v17 =	vld [tilespmem:s17+$0x6D01];
	v10 =	vadd.f32 v11, v10  }
0xb6: {  	v11 =	vld [tilespmem:s17+$0x7704]  }
0xb7: {  	v18 =	vld [tilespmem:s17+$0x6502];
	v10 =	vadd.f32 v13, v10  }
0xb8: {  	v13 =	vld [tilespmem:s17+$0x7785]  }
0xb9: {  	v19 =	vld [tilespmem:s17+$0x6D82];
	v10 =	vadd.f32 v15, v10  }
0xba: {  	v15 =	vld [tilespmem:s17+$0x7806]  }
0xbb: {  	v20 =	vld [tilespmem:s17+$0x6583];
	v10 =	vadd.f32 v11, v10  }
0xbc: {  	v11 =	vld [tilespmem:s17+$0x7887]  }
0xbd: {  	v21 =	vld [tilespmem:s17+$0x6E03];
	v10 =	vadd.f32 v13, v10  }
0xbe: {  	v13 =	vld [tilespmem:s17+$0x7908]  }
0xbf: {  	v22 =	vld [tilespmem:s17+$0x6604];
	v10 =	vadd.f32 v15, v10  }
0xc0: {  	v15 =	vld [tilespmem:s17+$0x7989]  }
0xc1: {  	v23 =	vld [tilespmem:s17+$0x6E84];
	v10 =	vadd.f32 v11, v10  }
0xc2: {  	v11 =	vld [tilespmem:s17+$0x7A0A]  }
0xc3: {  	v24 =	vld [tilespmem:s17+$0x6685];
	v10 =	vadd.f32 v13, v10  }
0xc4: {  	v13 =	vld [tilespmem:s17+$0x7A8B]  }
0xc5: {  	v12 =	vadd.f32 v14, v12;
	v14 =	vld [tilespmem:s17+$0x6F05];
	v10 =	vadd.f32 v15, v10  }
0xc6: {  	v16 =	vadd.f32 v17, v16;
	v15 =	vld [tilespmem:s17+$0x7B0C]  }
0xc7: {  	v17 =	vld [tilespmem:s17+$0x6706];
	v12 =	vadd.f32 v18, v12;
	v10 =	vadd.f32 v11, v10  }
0xc8: {  	v16 =	vadd.f32 v19, v16;
	v11 =	vld [tilespmem:s17+$0x7B8D]  }
0xc9: {  	v18 =	vld [tilespmem:s17+$0x6F86];
	v12 =	vadd.f32 v20, v12;
	v10 =	vadd.f32 v13, v10  }
0xca: {  	v16 =	vadd.f32 v21, v16;
	v13 =	vld [tilespmem:s17+$0x7C0E]  }
0xcb: {  	v19 =	vld [tilespmem:s17+$0x6787];
	v12 =	vadd.f32 v22, v12;
	v10 =	vadd.f32 v15, v10  }
0xcc: {  	v16 =	vadd.f32 v23, v16;
	v15 =	vld [tilespmem:s17+$0x7C8F]  }
0xcd: {  	v12 =	vadd.f32 v24, v12;
	v10 =	vadd.f32 v11, v10;
	v11 =	vld [tilespmem:s17+$0x7007]  }
0xce: {  	v63 =	vld [tilespmem:s17+$0x6808];
	v14 =	vadd.f32 v14, v16  }
0xcf: {  	v12 =	vadd.f32 v17, v12;
	v10 =	vadd.f32 v13, v10;
	v13 =	vld [tilespmem:s17+$0x7088]  }
0xd0: {  	v16 =	vld [tilespmem:s17+$0x6889];
	v14 =	vadd.f32 v18, v14  }
0xd1: {  	v12 =	vadd.f32 v19, v12;
	v10 =	vadd.f32 v15, v10;
	v15 =	vld [tilespmem:s17+$0x7109]  }
0xd2: {  	v17 =	vld [tilespmem:s17+$0x690A];
	v11 =	vadd.f32 v11, v14  }
0xd3: {  	v12 =	vadd.f32 v63, v12;
	[tilespmem:s17+$0x7E80] =	vst v10;
	v10 =	vld [tilespmem:s17+$0x718A]  }
0xd4: {  	v14 =	vld [tilespmem:s17+$0x698B];
	v11 =	vadd.f32 v13, v11  }
0xd5: {  	v12 =	vadd.f32 v16, v12;
	v13 =	vld [tilespmem:s17+$0x720B]  }
0xd6: {  	v16 =	vld [tilespmem:s17+$0x6A0C];
	v11 =	vadd.f32 v15, v11  }
0xd7: {  	v12 =	vadd.f32 v17, v12;
	v15 =	vld [tilespmem:s17+$0x728C]  }
0xd8: {  	v17 =	vld [tilespmem:s17+$0x6A8D];
	v10 =	vadd.f32 v10, v11  }
0xd9: {  	v18 =	vld [tilespmem:s17+$0x730D];
	v14 =	vadd.f32 v14, v12  }
0xda: {  	v11 =	vld [tilespmem:s17+$0x6B0E];
	v10 =	vadd.f32 v13, v10  }
0xdb: {  	v12 =	vld [tilespmem:s17+$0x738E];
	v16 =	vadd.f32 v16, v14  }
0xdc: {  	v13 =	vld [tilespmem:s17+$0x6B8F];
	v19 =	vadd.f32 v15, v10  }
0xdd: {  	s19 =	simm.s32 $0x10;
	v14 =	vld [tilespmem:s17+$0x740F];
	v15 =	vadd.f32 v17, v16  }
0xde: {  	s18 =	simm.s32 $0x80;
	v10 =	vld [tilespmem:s19+$0x7500];
	v16 =	vadd.f32 v18, v19  }
.LBB2_14:
0xdf: {  	p1 =	sne.s32 s18, $0x1C0;
	v17 =	vld [tilespmem:s19+$0x7581];
	v11 =	vadd.f32 v11, v15  }
0xe0: {  	v15 =	vld [tilespmem:s19+$0x6400];
	v12 =	vadd.f32 v12, v16  }
0xe1: {  	v16 =	vld [tilespmem:s19+$0x7602];
	v11 =	vadd.f32 v13, v11  }
0xe2: {  	v13 =	vld [tilespmem:s19+$0x6481];
	v12 =	vadd.f32 v14, v12  }
0xe3: {  	v14 =	vld [tilespmem:s19+$0x7683];
	[tilespmem:s17+$0x7D80] =	vst v11  }
0xe4: {  	v11 =	vld [tilespmem:s19+$0x6C80];
	v10 =	vadd.f32 v17, v10;
	[tilespmem:s17+$0x7E00] =	vst v12;
	s17 =	smov.u32 s19  }
0xe5: {  	v12 =	vld [tilespmem:s17+$0x7704]  }
0xe6: {  	v17 =	vld [tilespmem:s17+$0x6D01];
	v10 =	vadd.f32 v16, v10  }
0xe7: {  	v13 =	vadd.f32 v13, v15;
	v15 =	vld [tilespmem:s17+$0x7785]  }
0xe8: {  	v16 =	vld [tilespmem:s17+$0x6502];
	v10 =	vadd.f32 v14, v10  }
0xe9: {  	v14 =	vld [tilespmem:s17+$0x7806]  }
0xea: {  	v18 =	vld [tilespmem:s17+$0x6D82];
	v10 =	vadd.f32 v12, v10  }
0xeb: {  	v11 =	vadd.f32 v17, v11;
	v12 =	vld [tilespmem:s17+$0x7887]  }
0xec: {  	v17 =	vld [tilespmem:s17+$0x6583];
	v10 =	vadd.f32 v15, v10  }
0xed: {  	v13 =	vadd.f32 v16, v13;
	v15 =	vld [tilespmem:s17+$0x7908]  }
0xee: {  	v16 =	vld [tilespmem:s17+$0x6E03];
	v10 =	vadd.f32 v14, v10  }
0xef: {  	v11 =	vadd.f32 v18, v11;
	v14 =	vld [tilespmem:s17+$0x7989]  }
0xf0: {  	v18 =	vld [tilespmem:s17+$0x6604];
	v10 =	vadd.f32 v12, v10  }
0xf1: {  	v12 =	vadd.f32 v17, v13;
	v13 =	vld [tilespmem:s17+$0x7A0A]  }
0xf2: {  	v17 =	vld [tilespmem:s17+$0x6E84];
	v10 =	vadd.f32 v15, v10  }
0xf3: {  	v11 =	vadd.f32 v16, v11;
	v15 =	vld [tilespmem:s17+$0x7A8B]  }
0xf4: {  	v16 =	vld [tilespmem:s17+$0x6685];
	v10 =	vadd.f32 v14, v10  }
0xf5: {  	v12 =	vadd.f32 v18, v12;
	v14 =	vld [tilespmem:s17+$0x7B0C]  }
0xf6: {  	v18 =	vld [tilespmem:s17+$0x6F05];
	v10 =	vadd.f32 v13, v10  }
0xf7: {  	v11 =	vadd.f32 v17, v11;
	v13 =	vld [tilespmem:s17+$0x7B8D]  }
0xf8: {  	v17 =	vld [tilespmem:s17+$0x6706];
	v10 =	vadd.f32 v15, v10  }
0xf9: {  	v12 =	vadd.f32 v16, v12;
	v15 =	vld [tilespmem:s17+$0x7C0E]  }
0xfa: {  	v16 =	vld [tilespmem:s17+$0x6F86];
	v10 =	vadd.f32 v14, v10  }
0xfb: {  	v11 =	vadd.f32 v18, v11;
	v14 =	vld [tilespmem:s17+$0x7C8F]  }
0xfc: {  	v18 =	vld [tilespmem:s17+$0x6787];
	v10 =	vadd.f32 v13, v10  }
0xfd: {  	v12 =	vadd.f32 v17, v12;
	v13 =	vld [tilespmem:s17+$0x7007]  }
0xfe: {  	v17 =	vld [tilespmem:s17+$0x6808];
	v10 =	vadd.f32 v15, v10  }
0xff: {  	v11 =	vadd.f32 v16, v11;
	v15 =	vld [tilespmem:s17+$0x7088]  }
0x100: {  	v16 =	vld [tilespmem:s17+$0x6889];
	v10 =	vadd.f32 v14, v10  }
0x101: {  	v12 =	vadd.f32 v18, v12;
	v14 =	vld [tilespmem:s17+$0x7109]  }
0x102: {  	v18 =	vld [tilespmem:s17+$0x690A];
	v11 =	vadd.f32 v13, v11;
	[tilespmem:s17+$0x7E80] =	vst v10  }
0x103: {  	v10 =	vadd.f32 v17, v12;
	v12 =	vld [tilespmem:s17+$0x718A]  }
0x104: {  	v13 =	vld [tilespmem:s17+$0x698B];
	v11 =	vadd.f32 v15, v11  }
0x105: {  	v10 =	vadd.f32 v16, v10;
	v15 =	vld [tilespmem:s17+$0x720B]  }
0x106: {  	v16 =	vld [tilespmem:s17+$0x6A0C];
	v11 =	vadd.f32 v14, v11  }
0x107: {  	v10 =	vadd.f32 v18, v10;
	v14 =	vld [tilespmem:s17+$0x728C]  }
0x108: {  	v17 =	vld [tilespmem:s17+$0x6A8D];
	v12 =	vadd.f32 v12, v11  }
0x109: {  	v10 =	vadd.f32 v13, v10;
	v18 =	vld [tilespmem:s17+$0x730D]  }
.Ltmp6:
0x10a: {  	v11 =	vld [tilespmem:s17+$0x6B0E];
	v15 =	vadd.f32 v15, v12;
	(pc) =	sbr.rel @p1 .LBB2_14-.Ltmp6, $4  }
0x10b: {  	v10 =	vadd.f32 v16, v10;
	v12 =	vld [tilespmem:s17+$0x738E]  }
0x10c: {  	v13 =	vld [tilespmem:s17+$0x6B8F];
	v16 =	vadd.f32 v14, v15  }
0x10d: {  	s19 =	sshra.s32 s18, $0x2;
	v15 =	vadd.f32 v17, v10;
	v14 =	vld [tilespmem:s17+$0x740F]  }
0x10e: {  	s18 =	sadd.s32 $0x40, s18;
	v10 =	vld [tilespmem:s19+$0x7500];
	v16 =	vadd.f32 v18, v16  }
0x10f: {  	v17 =	vld [tilespmem:s19+$0x7581];
	v11 =	vadd.f32 v11, v15  }
0x110: {  	v63 =	vld [tilespmem:s19+$0x6400];
	v12 =	vadd.f32 v12, v16  }
0x111: {  	v18 =	vld [tilespmem:s19+$0x7602];
	v11 =	vadd.f32 v13, v11  }
0x112: {  	v28 =	vld [tilespmem:s19+$0x6481];
	v12 =	vadd.f32 v14, v12  }
0x113: {  	v29 =	vld [tilespmem:s19+$0x7683];
	[tilespmem:s17+$0x7D80] =	vst v11  }
0x114: {  	v11 =	vld [tilespmem:s19+$0x6C80];
	[tilespmem:s17+$0x7E00] =	vst v12  }
0x115: {  	v12 =	vld [tilespmem:s19+$0x7704]  }
0x116: {  	v10 =	vadd.f32 v17, v10;
	v30 =	vld [tilespmem:s19+$0x6D01]  }
0x117: {  	v31 =	vld [tilespmem:s19+$0x7785]  }
0x118: {  	v32 =	vld [tilespmem:s19+$0x6502];
	v10 =	vadd.f32 v18, v10  }
0x119: {  	v33 =	vld [tilespmem:s19+$0x7806]  }
0x11a: {  	v19 =	vld [tilespmem:s19+$0x6D82];
	v10 =	vadd.f32 v29, v10  }
0x11b: {  	v34 =	vld [tilespmem:s19+$0x7887]  }
0x11c: {  	v20 =	vld [tilespmem:s19+$0x6583];
	v10 =	vadd.f32 v12, v10  }
0x11d: {  	v35 =	vld [tilespmem:s19+$0x7908]  }
0x11e: {  	v21 =	vld [tilespmem:s19+$0x6E03];
	v10 =	vadd.f32 v31, v10  }
0x11f: {  	v36 =	vld [tilespmem:s19+$0x7989]  }
0x120: {  	v22 =	vld [tilespmem:s19+$0x6604];
	v10 =	vadd.f32 v33, v10  }
0x121: {  	v37 =	vld [tilespmem:s19+$0x7A0A]  }
0x122: {  	v23 =	vld [tilespmem:s19+$0x6E84];
	v10 =	vadd.f32 v34, v10  }
0x123: {  	v38 =	vld [tilespmem:s19+$0x7A8B]  }
0x124: {  	v24 =	vld [tilespmem:s19+$0x6685];
	v10 =	vadd.f32 v35, v10  }
0x125: {  	v39 =	vld [tilespmem:s19+$0x7B0C];
	v11 =	vadd.f32 v30, v11  }
0x126: {  	v13 =	vadd.f32 v28, v63;
	v40 =	vld [tilespmem:s19+$0x6F05];
	v10 =	vadd.f32 v36, v10  }
0x127: {  	v41 =	vld [tilespmem:s19+$0x7B8D];
	v11 =	vadd.f32 v19, v11  }
0x128: {  	v42 =	vld [tilespmem:s19+$0x6706];
	v13 =	vadd.f32 v32, v13;
	v10 =	vadd.f32 v37, v10  }
0x129: {  	v43 =	vld [tilespmem:s19+$0x7C0E];
	v11 =	vadd.f32 v21, v11  }
0x12a: {  	v44 =	vld [tilespmem:s19+$0x6F86];
	v13 =	vadd.f32 v20, v13;
	v10 =	vadd.f32 v38, v10  }
0x12b: {  	v45 =	vld [tilespmem:s19+$0x7C8F];
	v11 =	vadd.f32 v23, v11  }
0x12c: {  	v47 =	vld [tilespmem:s19+$0x7007];
	v13 =	vadd.f32 v22, v13;
	v10 =	vadd.f32 v39, v10  }
0x12d: {  	v46 =	vld [tilespmem:s19+$0x6787];
	v11 =	vadd.f32 v40, v11  }
0x12e: {  	v49 =	vld [tilespmem:s19+$0x7088];
	v13 =	vadd.f32 v24, v13;
	v10 =	vadd.f32 v41, v10  }
0x12f: {  	v48 =	vld [tilespmem:s19+$0x6808];
	v11 =	vadd.f32 v44, v11  }
0x130: {  	v51 =	vld [tilespmem:s19+$0x7109];
	v13 =	vadd.f32 v42, v13;
	v10 =	vadd.f32 v43, v10  }
0x131: {  	v50 =	vld [tilespmem:s19+$0x6889];
	v11 =	vadd.f32 v47, v11  }
0x132: {  	v53 =	vld [tilespmem:s19+$0x718A];
	v13 =	vadd.f32 v46, v13;
	v10 =	vadd.f32 v45, v10  }
0x133: {  	v52 =	vld [tilespmem:s19+$0x690A];
	v11 =	vadd.f32 v49, v11  }
0x134: {  	v55 =	vld [tilespmem:s19+$0x720B];
	[tilespmem:s19+$0x7E80] =	vst v10;
	v10 =	vadd.f32 v48, v13  }
0x135: {  	v54 =	vld [tilespmem:s19+$0x698B];
	v11 =	vadd.f32 v51, v11  }
0x136: {  	v57 =	vld [tilespmem:s19+$0x728C];
	v10 =	vadd.f32 v50, v10  }
0x137: {  	v56 =	vld [tilespmem:s19+$0x6A0C];
	v11 =	vadd.f32 v53, v11  }
0x138: {  	v59 =	vld [tilespmem:s19+$0x730D];
	v10 =	vadd.f32 v52, v10  }
0x139: {  	v58 =	vld [tilespmem:s19+$0x6A8D];
	v11 =	vadd.f32 v55, v11  }
0x13a: {  	v61 =	vld [tilespmem:s19+$0x738E];
	v10 =	vadd.f32 v54, v10  }
0x13b: {  	v60 =	vld [tilespmem:s19+$0x6B0E];
	v11 =	vadd.f32 v57, v11  }
0x13c: {  	v63 =	vld [tilespmem:s19+$0x740F];
	v10 =	vadd.f32 v56, v10  }
0x13d: {  	v62 =	vld [tilespmem:s19+$0x6B8F];
	v11 =	vadd.f32 v59, v11  }
0x13e: {  	v10 =	vadd.f32 v58, v10  }
0x13f: {  	v11 =	vadd.f32 v61, v11  }
0x140: {  	v10 =	vadd.f32 v60, v10  }
0x141: {  	v11 =	vadd.f32 v63, v11  }
0x142: {  	v10 =	vadd.f32 v62, v10  }
0x143: {  	[tilespmem:s19+$0x7E00] =	vst v11  }
0x144: {  	[tilespmem:s19+$0x7D80] =	vst v10  }
0x145: {  	[hbm4b:s11+s2] =	stream.linear.scatter [tilespmem:s29], [sflag:$0x2], $0x80, $0x38;
	[tilespmem:$0x7F00] =	vst v63  }
0x146: {  	_ =	swait.ge [sflag:s30], $0x80  }
0x147: {  	[sflag:s30] =	ssyncset.done $0x0  }
0x148: {  	[sflag:s30] =	ssyncadd.s32 $0xFFFFFF80  }
0x149: {  	[hbm4b:s12+s2] =	stream.linear.scatter [tilespmem:s31], [sflag:$0x2], $0x80, $0x38;
	[tilespmem:$0x7F00] =	vst v63  }
0x14a: {  	_ =	swait.ge [sflag:s30], $0x80  }
0x14b: {  	s0 =	sadd.s32 $0x1, s0;
	[sflag:s30] =	ssyncset.done $0x0  }
0x14c: {  	p1 =	sne.s32 s0, s14;
	[sflag:s30] =	ssyncadd.s32 $0xFFFFFF80  }
0x14d: {  	[hbm4b:s13+s2] =	stream.linear.scatter [tilespmem:s1], [sflag:$0x2], $0x80, $0x38;
	[tilespmem:$0x7F00] =	vst v63  }
.Ltmp7:
0x14e: {  	_ = 	snop;
	(pc) =	sbr.rel @p1 .LBB2_1-.Ltmp7, $4  }
.Ltmp8:
0x14f: {  	_ = 	snop;
	(pc) =	sbr.rel @!p1 .LBB2_16-.Ltmp8, $4  }
0x150: {  	_ =	swait.ge [sflag:s30], $0x80  }
0x151: {  	[sflag:s30] =	ssyncset.done $0x0  }
0x152: {  	[sflag:s30] =	ssyncadd.s32 $0xFFFFFF80  }
0x153: {  	_ = 	snop  }
.LBB2_5:
.Ltmp9:
0x154: {  	(pc) =	sbr.rel .LBB2_12-.Ltmp9, $2  }
0x155: {  	_ =	sdelay $0x2  }
0x156: {  	s17 =	smov.u32 s19;
	v24 =	vmov v12  }
.LBB2_7:
.Ltmp10:
0x157: {  	(pc) =	sbr.rel .LBB2_12-.Ltmp10, $3  }
0x158: {  	_ =	sdelay $0x1  }
0x159: {  	v26 =	vmov v10;
	v19 =	vmov v12  }
0x15a: {  	v24 =	vmovc v16;
	v11 =	vmovc v21;
	v13 =	vmov v22;
	s17 =	smov.u32 s18;
	v10 =	vmov v14;
	v12 =	vmov v16  }
.LBB2_9:
.Ltmp11:
0x15b: {  	(pc) =	sbr.rel .LBB2_12-.Ltmp11, $3  }
0x15c: {  	_ =	sdelay $0x1  }
0x15d: {  	v25 =	vmov v10  }
0x15e: {  	v27 =	vmovc v12;
	v26 =	vmovc v14;
	v10 =	vmov v19;
	v19 =	vmov v16;
	s19 =	smov.u32 s18;
	v12 =	vmov v24  }
.LBB2_16:
0x15f: {  	_ =	sfence.sel $0x180000  }
0x160: {  	[bflag:$0x0] =	sbarrier.arrive $0xFFFF  }
0x161: {  	_ =	strace $0x90000047  }
0x162: {  	s0 =	stileid.u32;
	[bflag:$0x2] =	sbarrier.arrive $0xFFFF  }
0x163: {  	p0 =	sne.s32 s0, $0x0;
	s0 =	rddreg [dreg:$0x3]  }
0x164: {  	s0 =	sadd.s32 @!p0 $0x100000, s0  }
0x165: {  	[sflag:s0] =	ssyncadd.tile.s32 @!p0 $0x1;
	_ =	shalt  }
.Lfunc_end2:
_tile_overlayer_lowered:
.L_overlay_start_2:
0x166: {  	(tag) =	ssettag $0x2  }
0x167: {  	s0 =	rddreg [dreg:$0x0];
	s2 =	stileid.u32  }
0x168: {  	s1 =	rddreg [dreg:$0x1];
	p0 =	sne.s32 s2, $0x0  }
0x169: {  	s3 =	rddreg [dreg:$0x2];
	[bflag:$0x3] =	sbarrier.arrive $0xFFFF;
	s2 =	simm.s32 @!p0 $0x1C02  }
0x16a: {  	[timem:s3], [sflag:s2] =	dma.local @!p0 [hbm:s0], s1  }
0x16b: {  	s0 =	simm.s32 @!p0 $0x2  }
0x16c: {  	_ =	swait.ge @!p0 [sflag:s0], s1  }
0x16d: {  	s1 =	ssub.s32 @!p0 $0x0, s1;
	[sflag:s0] =	ssyncset.done @!p0 $0x0  }
0x16e: {  	[sflag:s0] =	ssyncadd.s32 @!p0 s1  }
0x16f: {  	[bflag:$0x3] =	sbarrier.arrive $0xFFFF  }
0x170: {  	_ =	shalt  }

</sc_bundles>
